<compile_context>
chip_gen: v7x
topology: tpu7x:2x2x1
jax: 0.10.2.dev20260603
libtpu: 0.0.44.dev20260713+nightly
codegen_flags: <defaults>
</compile_context>

<pallas_src>
import functools
import math

import jax
import jax.numpy as jnp
from jax import lax
from jax.experimental import pallas as pl
from jax.experimental.pallas import tpu as pltpu
from jax.experimental.pallas import tpu_sc as plsc

DIM = 1024
HIDDEN = 4096
E = 8
B = 2
N = 2048
BN = B * N
EPS = 1e-9
CAP = max(min(N, int((N * 1.25) / E)), 4)
CAPF = float(CAP)
BC = B * CAP
NSLOT = E * BC
LOSS_SCALE = E * 1e-2 / (B * N * N)

TBLK = 512
NBB = N // TBLK
NB = BN // TBLK

SBLK = 1280
SCH = NSLOT // SBLK

HBLK = 512
NH = HIDDEN // HBLK

NC = 2
NS = 16
NW = NC * NS
RPW = NSLOT // NW
CH = 80
TPW = BN // NW
CHT = 32

_INV_SQRT2 = 1.0 / math.sqrt(2.0)



def _gating_body(x_ref, wg_ref, sd1_ref, sc1_ref, g1_ref, sd2_ref, sc2_ref,
                 g2_ref, loss_ref, cnt_ref):
    p = pl.program_id(0)
    i = pl.program_id(1)
    b = i // NBB
    first = (i % NBB) == 0
    last_in_batch = (i % NBB) == (NBB - 1)

    x = x_ref[...]
    logits = jnp.dot(x, wg_ref[...], preferred_element_type=jnp.float32)
    mx = jnp.max(logits, axis=-1, keepdims=True)
    ex = jnp.exp(logits - mx)
    raw = ex / jnp.sum(ex, axis=-1, keepdims=True)

    lane = lax.broadcasted_iota(jnp.int32, (TBLK, E), 1)
    g1 = jnp.max(raw, axis=-1, keepdims=True)
    idx1 = jnp.min(jnp.where(raw >= g1, lane, E), axis=-1, keepdims=True)
    mask1 = (lane == idx1).astype(jnp.float32)

    zero18 = jnp.zeros((1, E), jnp.float32)
    base1 = jnp.where(first, zero18, cnt_ref[0:1, :E])
    cnt1_new = base1 + jnp.sum(mask1, axis=0, keepdims=True)
    cnt_ref[0:1, :E] = cnt1_new

    rawsum = jnp.sum(raw, axis=0, keepdims=True)

    @pl.when(p == 0)
    def _():
        @pl.when(b == 0)
        def _():
            prev = jnp.where(first, zero18, cnt_ref[4:5, :E])
            cnt_ref[4:5, :E] = prev + rawsum

            @pl.when(last_in_batch)
            def _():
                cnt_ref[2:3, :E] = jnp.minimum(cnt1_new, CAPF)
                cnt_ref[6:7, :E] = cnt1_new

        @pl.when(b == 1)
        def _():
            prev = jnp.where(first, zero18, cnt_ref[5:6, :E])
            cnt_ref[5:6, :E] = prev + rawsum

            @pl.when(last_in_batch)
            def _():
                cnt_ref[3:4, :E] = jnp.minimum(cnt1_new, CAPF)
                cnt_ref[7:8, :E] = cnt1_new

    @pl.when(p == 1)
    def _():
        raw2 = raw * (1.0 - mask1)
        g2 = jnp.max(raw2, axis=-1, keepdims=True)
        idx2 = jnp.min(jnp.where(raw2 >= g2, lane, E), axis=-1, keepdims=True)
        mask2 = (lane == idx2).astype(jnp.float32)
        denom = g1 + g2 + EPS
        g1n = g1 / denom
        g2n = g2 / denom

        rr = lax.broadcasted_iota(jnp.int32, (TBLK, TBLK), 0)
        cc = lax.broadcasted_iota(jnp.int32, (TBLK, TBLK), 1)
        tri = (cc < rr).astype(jnp.float32)
        posb1 = jnp.dot(tri, mask1, preferred_element_type=jnp.float32)
        pos1 = posb1 + base1
        pos1_tok = jnp.sum(pos1 * mask1, axis=-1, keepdims=True)
        kept1 = pos1_tok < CAPF

        base2 = jnp.where(first, zero18, cnt_ref[1:2, :E])
        cnt_ref[1:2, :E] = base2 + jnp.sum(mask2, axis=0, keepdims=True)
        c1tot = jnp.where(b == 0, cnt_ref[2:3, :E], cnt_ref[3:4, :E])
        posb2 = jnp.dot(tri, mask2, preferred_element_type=jnp.float32)
        pos2 = posb2 + base2 + c1tot
        pos2_tok = jnp.sum(pos2 * mask2, axis=-1, keepdims=True)
        kept2 = pos2_tok < CAPF

        g1k = jnp.where(kept1, g1n, 0.0)
        g2k = jnp.where(kept2, g2n, 0.0)
        slot1 = idx1 * BC + b * CAP + pos1_tok.astype(jnp.int32)
        slot2 = idx2 * BC + b * CAP + pos2_tok.astype(jnp.int32)
        sd1_ref[...] = jnp.broadcast_to(jnp.where(kept1, slot1, NSLOT), (TBLK, E))
        sd2_ref[...] = jnp.broadcast_to(jnp.where(kept2, slot2, NSLOT), (TBLK, E))
        sc1_ref[...] = jnp.broadcast_to(jnp.where(kept1, slot1, 0), (TBLK, E))
        sc2_ref[...] = jnp.broadcast_to(jnp.where(kept2, slot2, 0), (TBLK, E))
        g1_ref[...] = jnp.broadcast_to(g1k, (TBLK, E))
        g2_ref[...] = jnp.broadcast_to(g2k, (TBLK, E))

        @pl.when((b == B - 1) & last_in_batch)
        def _():
            l0 = jnp.sum(cnt_ref[4:5, :E] * cnt_ref[6:7, :E]
                         + cnt_ref[5:6, :E] * cnt_ref[7:8, :E],
                         axis=(0, 1), keepdims=True)
            loss_ref[...] = l0 * LOSS_SCALE


def _gating(x2d, wg):
    io = jax.ShapeDtypeStruct((BN, E), jnp.int32)
    fo = jax.ShapeDtypeStruct((BN, E), jnp.float32)
    tok_spec = pl.BlockSpec((TBLK, E), lambda p, i: (i, 0))
    return pl.pallas_call(
        _gating_body,
        grid=(2, NB),
        in_specs=[
            pl.BlockSpec((TBLK, DIM), lambda p, i: (i, 0)),
            pl.BlockSpec((DIM, E), lambda p, i: (0, 0)),
        ],
        out_specs=[tok_spec, tok_spec, tok_spec, tok_spec, tok_spec, tok_spec,
                   pl.BlockSpec((1, 1), lambda p, i: (0, 0))],
        out_shape=[io, io, fo, io, io, fo,
                   jax.ShapeDtypeStruct((1, 1), jnp.float32)],
        scratch_shapes=[pltpu.VMEM((8, 128), jnp.float32)],
    )(x2d, wg)



def _table_body(sd1_ref, sd2_ref, out_ref):
    s = pl.program_id(0)
    t = pl.program_id(1)
    col1 = sd1_ref[:, 0:1]
    col2 = sd2_ref[:, 0:1]
    slot = lax.broadcasted_iota(jnp.int32, (TBLK, SBLK), 1) + s * SBLK
    vals = (lax.broadcasted_iota(jnp.int32, (TBLK, 1), 0)
            + (t * TBLK + 1)).astype(jnp.float32)
    oh = (col1 == slot).astype(jnp.float32) + (col2 == slot).astype(jnp.float32)
    part = jnp.sum(oh * vals, axis=0, keepdims=True)

    @pl.when(t == 0)
    def _():
        out_ref[...] = part

    @pl.when(t > 0)
    def _():
        out_ref[...] = out_ref[...] + part


def _table(sd1, sd2):
    return pl.pallas_call(
        _table_body,
        grid=(SCH, NB),
        in_specs=[
            pl.BlockSpec((TBLK, E), lambda s, t: (t, 0)),
            pl.BlockSpec((TBLK, E), lambda s, t: (t, 0)),
        ],
        out_specs=pl.BlockSpec((1, SBLK), lambda s, t: (0, s)),
        out_shape=jax.ShapeDtypeStruct((1, NSLOT), jnp.float32),
        compiler_params=pltpu.CompilerParams(
            dimension_semantics=("parallel", "arbitrary")),
    )(sd1, sd2)



def _sc_dispatch(table, x_pad):
    @functools.partial(
        pl.kernel,
        out_type=jax.ShapeDtypeStruct((NSLOT, DIM), jnp.float32),
        mesh=plsc.VectorSubcoreMesh(core_axis_name="c", subcore_axis_name="s"),
        scratch_types=[
            pltpu.VMEM((RPW,), jnp.int32),
            pltpu.VMEM((CH, DIM), jnp.float32),
            pltpu.SemaphoreType.DMA,
        ],
    )
    def k(table_hbm, xpad_hbm, out_hbm, idx_v, rows_v, sem):
        wid = lax.axis_index("s") * NC + lax.axis_index("c")
        base = wid * RPW
        pltpu.sync_copy(table_hbm.at[pl.ds(base, RPW)], idx_v)
        for j in range(RPW // CH):
            pltpu.async_copy(
                xpad_hbm.at[idx_v.at[pl.ds(j * CH, CH)]], rows_v, sem).wait()
            pltpu.sync_copy(rows_v, out_hbm.at[pl.ds(base + j * CH, CH)])

    return k(table, x_pad)



def _ffn_body(x_ref, w1_ref, b1_ref, w2_ref, b2_ref, out_ref):
    h = pl.program_id(1)
    x = x_ref[...].astype(jnp.bfloat16)
    hp = jnp.dot(x, w1_ref[0].astype(jnp.bfloat16),
                 preferred_element_type=jnp.float32)
    hp = hp + b1_ref[...][None, :]
    act = 0.5 * hp * (1.0 + lax.erf(hp * _INV_SQRT2))
    part = jnp.dot(act.astype(jnp.bfloat16), w2_ref[0].astype(jnp.bfloat16),
                   preferred_element_type=jnp.float32)

    @pl.when(h == 0)
    def _():
        out_ref[...] = part + b2_ref[...][None, :]

    @pl.when(h > 0)
    def _():
        out_ref[...] = out_ref[...] + part


def _ffn(disp, w1, w2, b1, b2):
    return pl.pallas_call(
        _ffn_body,
        grid=(E, NH),
        in_specs=[
            pl.BlockSpec((BC, DIM), lambda e, h: (e, 0)),
            pl.BlockSpec((1, DIM, HBLK), lambda e, h: (e, 0, h)),
            pl.BlockSpec((HBLK,), lambda e, h: (h,)),
            pl.BlockSpec((1, HBLK, DIM), lambda e, h: (e, h, 0)),
            pl.BlockSpec((DIM,), lambda e, h: (0,)),
        ],
        out_specs=pl.BlockSpec((BC, DIM), lambda e, h: (e, 0)),
        out_shape=jax.ShapeDtypeStruct((NSLOT, DIM), jnp.float32),
        compiler_params=pltpu.CompilerParams(
            dimension_semantics=("parallel", "arbitrary")),
    )(disp, w1, b1, w2, b2)



def _sc_combine_gather(s1, s2, eo):
    @functools.partial(
        pl.kernel,
        out_type=(jax.ShapeDtypeStruct((BN, DIM), jnp.float32),
                  jax.ShapeDtypeStruct((BN, DIM), jnp.float32)),
        mesh=plsc.VectorSubcoreMesh(core_axis_name="c", subcore_axis_name="s"),
        scratch_types=[
            pltpu.VMEM((TPW,), jnp.int32),
            pltpu.VMEM((TPW,), jnp.int32),
            pltpu.VMEM((CHT, DIM), jnp.float32),
            pltpu.VMEM((CHT, DIM), jnp.float32),
            pltpu.SemaphoreType.DMA,
            pltpu.SemaphoreType.DMA,
        ],
    )
    def k(s1_hbm, s2_hbm, eo_hbm, out1_hbm, out2_hbm,
          s1v, s2v, r1, r2, sem1, sem2):
        wid = lax.axis_index("s") * NC + lax.axis_index("c")
        base = wid * TPW
        pltpu.sync_copy(s1_hbm.at[pl.ds(base, TPW)], s1v)
        pltpu.sync_copy(s2_hbm.at[pl.ds(base, TPW)], s2v)
        for j in range(TPW // CHT):
            cp1 = pltpu.async_copy(
                eo_hbm.at[s1v.at[pl.ds(j * CHT, CHT)]], r1, sem1)
            cp2 = pltpu.async_copy(
                eo_hbm.at[s2v.at[pl.ds(j * CHT, CHT)]], r2, sem2)
            cp1.wait()
            pltpu.sync_copy(r1, out1_hbm.at[pl.ds(base + j * CHT, CHT)])
            cp2.wait()
            pltpu.sync_copy(r2, out2_hbm.at[pl.ds(base + j * CHT, CHT)])

    return k(s1, s2, eo)


def _wadd_body(o1_ref, o2_ref, g1_ref, g2_ref, out_ref):
    g1 = g1_ref[:, 0:1]
    g2 = g2_ref[:, 0:1]
    out_ref[...] = g1 * o1_ref[...] + g2 * o2_ref[...]


def _wadd(o1, o2, g1o, g2o):
    return pl.pallas_call(
        _wadd_body,
        grid=(NB,),
        in_specs=[
            pl.BlockSpec((TBLK, DIM), lambda i: (i, 0)),
            pl.BlockSpec((TBLK, DIM), lambda i: (i, 0)),
            pl.BlockSpec((TBLK, E), lambda i: (i, 0)),
            pl.BlockSpec((TBLK, E), lambda i: (i, 0)),
        ],
        out_specs=pl.BlockSpec((TBLK, DIM), lambda i: (i, 0)),
        out_shape=jax.ShapeDtypeStruct((BN, DIM), jnp.float32),
        compiler_params=pltpu.CompilerParams(
            dimension_semantics=("parallel",)),
    )(o1, o2, g1o, g2o)



def kernel(inputs, w_gating, w1, w2, b1, b2):
    x2d = inputs.reshape(BN, DIM)
    sd1, sc1, g1o, sd2, sc2, g2o, loss11 = _gating(x2d, w_gating)
    table = _table(sd1, sd2).reshape(NSLOT).astype(jnp.int32)
    x_pad = jnp.concatenate([jnp.zeros((1, DIM), jnp.float32), x2d], axis=0)
    disp = _sc_dispatch(table, x_pad)
    eo = _ffn(disp, w1, w2, b1, b2)
    o1, o2 = _sc_combine_gather(sc1[:, 0], sc2[:, 0], eo)
    out2d = _wadd(o1, o2, g1o, g2o)
    return out2d.reshape(B, N, DIM), loss11[0, 0]

# --- scband reference (transcript-rebuilt; emitter-appended) ---
"""Pipeline reference for scband-mo-e-5952824673138 (READ-ONLY COPY).

The authoritative reference and input builder live on the scoring server;
editing this copy changes nothing except your own understanding.
"""

import jax, jax.numpy as jnp
import numpy as np
import math

DIM = 1024
HIDDEN = 4096
NUM_EXPERTS = 8
BATCH = 2
SEQ = 2048
EPS = 1e-9
CAPACITY_FACTOR = 1.25
MIN_EXPERT_CAPACITY = 4
LOSS_COEF = 1e-2


def setup_inputs(seed: int = 0) -> dict:
    key = jax.random.key(seed)
    k1, k2, k3, k4 = jax.random.split(key, 4)
    x = jax.random.normal(k1, (BATCH, SEQ, DIM), dtype=jnp.float32)
    w_gating = jax.random.normal(k2, (DIM, NUM_EXPERTS), dtype=jnp.float32)
    std1 = 1.0 / math.sqrt(HIDDEN)
    std2 = 1.0 / math.sqrt(DIM)
    w1 = jax.random.uniform(k3, (NUM_EXPERTS, DIM, HIDDEN), minval=-std1, maxval=std1, dtype=jnp.float32)
    w2 = jax.random.uniform(k4, (NUM_EXPERTS, HIDDEN, DIM), minval=-std2, maxval=std2, dtype=jnp.float32)
    b1 = jnp.zeros((HIDDEN,), jnp.float32)
    b2 = jnp.zeros((DIM,), jnp.float32)
    return {"inputs": x, "w_gating": w_gating, "w1": w1, "w2": w2, "b1": b1, "b2": b2}


def _cumsum_exclusive(t, axis=-2):
    return jnp.cumsum(t, axis=axis) - t


def _top2_gating(x, w_gating):
    b, group_size, dim = x.shape
    num_gates = w_gating.shape[-1]
    raw_gates = jax.nn.softmax(jnp.einsum('bnd,de->bne', x, w_gating), axis=-1)
    gate_1 = jnp.max(raw_gates, axis=-1)
    index_1 = jnp.argmax(raw_gates, axis=-1)
    mask_1 = jax.nn.one_hot(index_1, num_gates, dtype=jnp.float32)
    density_1_proxy = raw_gates
    gates_without_top_1 = raw_gates * (1.0 - mask_1)
    gate_2 = jnp.max(gates_without_top_1, axis=-1)
    index_2 = jnp.argmax(gates_without_top_1, axis=-1)
    mask_2 = jax.nn.one_hot(index_2, num_gates, dtype=jnp.float32)
    denom = gate_1 + gate_2 + EPS
    gate_1 = gate_1 / denom
    gate_2 = gate_2 / denom
    density_1 = jnp.mean(mask_1, axis=-2)
    density_1_proxy = jnp.mean(density_1_proxy, axis=-2)
    loss = jnp.mean(density_1_proxy * density_1) * float(num_gates ** 2)
    # second policy 'all': keep mask_2 unchanged (deterministic; avoids RNG of 'random' policy)
    expert_capacity = min(group_size, int((group_size * CAPACITY_FACTOR) / num_gates))
    expert_capacity = max(expert_capacity, MIN_EXPERT_CAPACITY)
    expert_capacity_f = float(expert_capacity)
    position_in_expert_1 = _cumsum_exclusive(mask_1, axis=-2) * mask_1
    mask_1 = mask_1 * (position_in_expert_1 < expert_capacity_f).astype(jnp.float32)
    mask_1_count = jnp.sum(mask_1, axis=-2, keepdims=True)
    mask_1_flat = jnp.sum(mask_1, axis=-1)
    position_in_expert_1 = jnp.sum(position_in_expert_1, axis=-1)
    gate_1 = gate_1 * mask_1_flat
    position_in_expert_2 = (_cumsum_exclusive(mask_2, axis=-2) + mask_1_count) * mask_2
    mask_2 = mask_2 * (position_in_expert_2 < expert_capacity_f).astype(jnp.float32)
    mask_2_flat = jnp.sum(mask_2, axis=-1)
    position_in_expert_2 = jnp.sum(position_in_expert_2, axis=-1)
    gate_2 = gate_2 * mask_2_flat
    combine_tensor = (
        gate_1[..., None, None] * mask_1_flat[..., None, None]
        * jax.nn.one_hot(index_1, num_gates, dtype=jnp.float32)[..., None]
        * jax.nn.one_hot(position_in_expert_1.astype(jnp.int32), expert_capacity, dtype=jnp.float32)[..., None, :]
        + gate_2[..., None, None] * mask_2_flat[..., None, None]
        * jax.nn.one_hot(index_2, num_gates, dtype=jnp.float32)[..., None]
        * jax.nn.one_hot(position_in_expert_2.astype(jnp.int32), expert_capacity, dtype=jnp.float32)[..., None, :]
    )
    dispatch_tensor = (combine_tensor != 0).astype(combine_tensor.dtype)
    return dispatch_tensor, combine_tensor, loss


def reference(inputs, w_gating, w1, w2, b1, b2):
    dispatch_tensor, combine_tensor, loss = _top2_gating(inputs, w_gating)
    # dispatch tokens to expert slots: [b, n, d] x [b, n, e, c] -> [e, b, c, d]
    expert_inputs = jnp.einsum('bnd,bnec->ebcd', inputs, dispatch_tensor)
    # Experts FFN: einsum('...nd,...dh->...nh') with per-expert w1 then GELU then w2
    hidden = jnp.einsum('ebcd,edh->ebch', expert_inputs, w1) + b1
    hidden = jax.nn.gelu(hidden, approximate=False)
    expert_outputs = jnp.einsum('ebch,ehd->ebcd', hidden, w2) + b2
    # combine back: [e, b, c, d] x [b, n, e, c] -> [b, n, d]
    output = jnp.einsum('ebcd,bnec->bnd', expert_outputs, combine_tensor)
    return output, loss * LOSS_COEF

if __name__ == "__main__":
    import jax
    _d = setup_inputs()
    print(jax.jit(kernel)(*tuple(_d.values())))

</pallas_src>

<mosaic_0001>
#map = affine_map<(d0, d1) -> (0)>
#map1 = affine_map<(d0, d1) -> (0, 0)>
module attributes {stable_mosaic.version = 14 : i64} {
  func.func @k(%arg0: i32, %arg1: i32, %arg2: memref<4096xi32, #tpu.memory_space<hbm>>, %arg3: memref<4096xi32, #tpu.memory_space<hbm>>, %arg4: memref<5120x1024xf32, #tpu.memory_space<hbm>>, %arg5: memref<4096x1024xf32, #tpu.memory_space<hbm>>, %arg6: memref<4096x1024xf32, #tpu.memory_space<hbm>>, %arg7: memref<128xi32, #tpu.memory_space<vmem>>, %arg8: memref<128xi32, #tpu.memory_space<vmem>>, %arg9: memref<32x1024xf32, #tpu.memory_space<vmem>>, %arg10: memref<32x1024xf32, #tpu.memory_space<vmem>>, %arg11: memref<!tpu.dma_semaphore, #tpu.memory_space<semaphore_mem>>, %arg12: memref<!tpu.dma_semaphore, #tpu.memory_space<semaphore_mem>>) attributes {dimension_semantics = [#tpu.dimension_semantics<core_parallel>, #tpu.dimension_semantics<subcore_parallel>], iteration_bounds = array<i64: 2, 16>, scalar_prefetch = 0 : i64, scratch_operands = 6 : i64, tpu.core_type = #tpu.core_type<sc_vector_subcore>, window_params = [{transform_indices = #map}, {transform_indices = #map}, {transform_indices = #map1}, {transform_indices = #map1}, {transform_indices = #map1}]} {
    %mul3A = arith.constant 2 : i32
    %mul3A_0 = arith.muli %arg1, %mul3A : i32
    %add3A = arith.addi %mul3A_0, %arg0 : i32
    %mul3A_1 = arith.constant 128 : i32
    %mul3A_2 = arith.muli %add3A, %mul3A_1 : i32
    "tpu.region"() ({
      %run_scoped3A = tpu.sem_alloc : memref<!tpu.dma_semaphore, #tpu.memory_space<semaphore_mem>>
      %dma_start3A_97 = tpu.memref_slice %arg2[%mul3A_2] : memref<4096xi32, #tpu.memory_space<hbm>> -> memref<128xi32, #tpu.memory_space<hbm>>
      %dma_start3A_98 = tpu.memref_slice %arg2[%mul3A_2] : memref<4096xi32, #tpu.memory_space<hbm>> -> memref<128xi32, #tpu.memory_space<hbm>>
      tpu.enqueue_dma source(%dma_start3A_98 : memref<128xi32, #tpu.memory_space<hbm>>) target(%arg7 : memref<128xi32, #tpu.memory_space<vmem>>) target_semaphore(%run_scoped3A : memref<!tpu.dma_semaphore, #tpu.memory_space<semaphore_mem>>)
      %dma_wait3A_99 = tpu.memref_slice %arg2[%mul3A_2] : memref<4096xi32, #tpu.memory_space<hbm>> -> memref<128xi32, #tpu.memory_space<hbm>>
      %dma_wait3A_100 = tpu.memref_slice %arg2[%mul3A_2] : memref<4096xi32, #tpu.memory_space<hbm>> -> memref<128xi32, #tpu.memory_space<hbm>>
      tpu.wait_dma2 semaphore(%run_scoped3A : memref<!tpu.dma_semaphore, #tpu.memory_space<semaphore_mem>>) src(%dma_wait3A_100 : memref<128xi32, #tpu.memory_space<hbm>>) dst(%arg7 : memref<128xi32, #tpu.memory_space<vmem>>)
      tpu.yield
    }) : () -> ()
    "tpu.region"() ({
      %run_scoped3A = tpu.sem_alloc : memref<!tpu.dma_semaphore, #tpu.memory_space<semaphore_mem>>
      %dma_start3A_97 = tpu.memref_slice %arg3[%mul3A_2] : memref<4096xi32, #tpu.memory_space<hbm>> -> memref<128xi32, #tpu.memory_space<hbm>>
      %dma_start3A_98 = tpu.memref_slice %arg3[%mul3A_2] : memref<4096xi32, #tpu.memory_space<hbm>> -> memref<128xi32, #tpu.memory_space<hbm>>
      tpu.enqueue_dma source(%dma_start3A_98 : memref<128xi32, #tpu.memory_space<hbm>>) target(%arg8 : memref<128xi32, #tpu.memory_space<vmem>>) target_semaphore(%run_scoped3A : memref<!tpu.dma_semaphore, #tpu.memory_space<semaphore_mem>>)
      %dma_wait3A_99 = tpu.memref_slice %arg3[%mul3A_2] : memref<4096xi32, #tpu.memory_space<hbm>> -> memref<128xi32, #tpu.memory_space<hbm>>
      %dma_wait3A_100 = tpu.memref_slice %arg3[%mul3A_2] : memref<4096xi32, #tpu.memory_space<hbm>> -> memref<128xi32, #tpu.memory_space<hbm>>
      tpu.wait_dma2 semaphore(%run_scoped3A : memref<!tpu.dma_semaphore, #tpu.memory_space<semaphore_mem>>) src(%dma_wait3A_100 : memref<128xi32, #tpu.memory_space<hbm>>) dst(%arg8 : memref<128xi32, #tpu.memory_space<vmem>>)
      tpu.yield
    }) : () -> ()
    %dma_start3A = arith.constant 0 : i32
    %dma_start3A_3 = tpu.memref_slice %arg7[%dma_start3A] : memref<128xi32, #tpu.memory_space<vmem>> -> memref<32xi32, #tpu.memory_space<vmem>>
    %dma_start3A_4 = arith.constant 0 : i32
    %dma_start3A_5 = arith.constant 0 : i32
    %dma_start3A_6 = tpu.memref_slice %arg4[%dma_start3A_4, %dma_start3A_5] : memref<5120x1024xf32, #tpu.memory_space<hbm>> -> memref<5120x1024xf32, #tpu.memory_space<hbm>>
    tpu.enqueue_indirect_dma source(%dma_start3A_6 : memref<5120x1024xf32, #tpu.memory_space<hbm>>) target(%arg9 : memref<32x1024xf32, #tpu.memory_space<vmem>>) offsets(%dma_start3A_3 : memref<32xi32, #tpu.memory_space<vmem>>) semaphore(%arg11 : memref<!tpu.dma_semaphore, #tpu.memory_space<semaphore_mem>>)
    %dma_start3A_7 = arith.constant 0 : i32
    %dma_start3A_8 = tpu.memref_slice %arg8[%dma_start3A_7] : memref<128xi32, #tpu.memory_space<vmem>> -> memref<32xi32, #tpu.memory_space<vmem>>
    %dma_start3A_9 = arith.constant 0 : i32
    %dma_start3A_10 = arith.constant 0 : i32
    %dma_start3A_11 = tpu.memref_slice %arg4[%dma_start3A_9, %dma_start3A_10] : memref<5120x1024xf32, #tpu.memory_space<hbm>> -> memref<5120x1024xf32, #tpu.memory_space<hbm>>
    tpu.enqueue_indirect_dma source(%dma_start3A_11 : memref<5120x1024xf32, #tpu.memory_space<hbm>>) target(%arg10 : memref<32x1024xf32, #tpu.memory_space<vmem>>) offsets(%dma_start3A_8 : memref<32xi32, #tpu.memory_space<vmem>>) semaphore(%arg12 : memref<!tpu.dma_semaphore, #tpu.memory_space<semaphore_mem>>)
    %dma_wait3A = arith.constant 0 : i32
    %dma_wait3A_12 = tpu.memref_slice %arg7[%dma_wait3A] : memref<128xi32, #tpu.memory_space<vmem>> -> memref<32xi32, #tpu.memory_space<vmem>>
    %dma_wait3A_13 = arith.constant 0 : i32
    %dma_wait3A_14 = arith.constant 0 : i32
    %dma_wait3A_15 = tpu.memref_slice %arg4[%dma_wait3A_13, %dma_wait3A_14] : memref<5120x1024xf32, #tpu.memory_space<hbm>> -> memref<5120x1024xf32, #tpu.memory_space<hbm>>
    tpu.wait_indirect_dma semaphore(%arg11 : memref<!tpu.dma_semaphore, #tpu.memory_space<semaphore_mem>>) src(%dma_wait3A_15 : memref<5120x1024xf32, #tpu.memory_space<hbm>>) dst(%arg9 : memref<32x1024xf32, #tpu.memory_space<vmem>>)
    %add3A_16 = arith.constant 0 : i32
    %add3A_17 = arith.addi %mul3A_2, %add3A_16 : i32
    "tpu.region"() ({
      %run_scoped3A = tpu.sem_alloc : memref<!tpu.dma_semaphore, #tpu.memory_space<semaphore_mem>>
      %dma_start3A_97 = arith.constant 0 : i32
      %dma_start3A_98 = tpu.memref_slice %arg5[%add3A_17, %dma_start3A_97] : memref<4096x1024xf32, #tpu.memory_space<hbm>> -> memref<32x1024xf32, #tpu.memory_space<hbm>>
      %dma_start3A_99 = arith.constant 0 : i32
      %dma_start3A_100 = tpu.memref_slice %arg5[%add3A_17, %dma_start3A_99] : memref<4096x1024xf32, #tpu.memory_space<hbm>> -> memref<32x1024xf32, #tpu.memory_space<hbm>>
      tpu.enqueue_dma source(%arg9 : memref<32x1024xf32, #tpu.memory_space<vmem>>) target(%dma_start3A_100 : memref<32x1024xf32, #tpu.memory_space<hbm>>) target_semaphore(%run_scoped3A : memref<!tpu.dma_semaphore, #tpu.memory_space<semaphore_mem>>)
      %dma_wait3A_101 = arith.constant 0 : i32
      %dma_wait3A_102 = tpu.memref_slice %arg5[%add3A_17, %dma_wait3A_101] : memref<4096x1024xf32, #tpu.memory_space<hbm>> -> memref<32x1024xf32, #tpu.memory_space<hbm>>
      %dma_wait3A_103 = arith.constant 0 : i32
      %dma_wait3A_104 = tpu.memref_slice %arg5[%add3A_17, %dma_wait3A_103] : memref<4096x1024xf32, #tpu.memory_space<hbm>> -> memref<32x1024xf32, #tpu.memory_space<hbm>>
      tpu.wait_dma2 semaphore(%run_scoped3A : memref<!tpu.dma_semaphore, #tpu.memory_space<semaphore_mem>>) src(%arg9 : memref<32x1024xf32, #tpu.memory_space<vmem>>) dst(%dma_wait3A_104 : memref<32x1024xf32, #tpu.memory_space<hbm>>)
      tpu.yield
    }) : () -> ()
    %dma_wait3A_18 = arith.constant 0 : i32
    %dma_wait3A_19 = tpu.memref_slice %arg8[%dma_wait3A_18] : memref<128xi32, #tpu.memory_space<vmem>> -> memref<32xi32, #tpu.memory_space<vmem>>
    %dma_wait3A_20 = arith.constant 0 : i32
    %dma_wait3A_21 = arith.constant 0 : i32
    %dma_wait3A_22 = tpu.memref_slice %arg4[%dma_wait3A_20, %dma_wait3A_21] : memref<5120x1024xf32, #tpu.memory_space<hbm>> -> memref<5120x1024xf32, #tpu.memory_space<hbm>>
    tpu.wait_indirect_dma semaphore(%arg12 : memref<!tpu.dma_semaphore, #tpu.memory_space<semaphore_mem>>) src(%dma_wait3A_22 : memref<5120x1024xf32, #tpu.memory_space<hbm>>) dst(%arg10 : memref<32x1024xf32, #tpu.memory_space<vmem>>)
    %add3A_23 = arith.constant 0 : i32
    %add3A_24 = arith.addi %mul3A_2, %add3A_23 : i32
    "tpu.region"() ({
      %run_scoped3A = tpu.sem_alloc : memref<!tpu.dma_semaphore, #tpu.memory_space<semaphore_mem>>
      %dma_start3A_97 = arith.constant 0 : i32
      %dma_start3A_98 = tpu.memref_slice %arg6[%add3A_24, %dma_start3A_97] : memref<4096x1024xf32, #tpu.memory_space<hbm>> -> memref<32x1024xf32, #tpu.memory_space<hbm>>
      %dma_start3A_99 = arith.constant 0 : i32
      %dma_start3A_100 = tpu.memref_slice %arg6[%add3A_24, %dma_start3A_99] : memref<4096x1024xf32, #tpu.memory_space<hbm>> -> memref<32x1024xf32, #tpu.memory_space<hbm>>
      tpu.enqueue_dma source(%arg10 : memref<32x1024xf32, #tpu.memory_space<vmem>>) target(%dma_start3A_100 : memref<32x1024xf32, #tpu.memory_space<hbm>>) target_semaphore(%run_scoped3A : memref<!tpu.dma_semaphore, #tpu.memory_space<semaphore_mem>>)
      %dma_wait3A_101 = arith.constant 0 : i32
      %dma_wait3A_102 = tpu.memref_slice %arg6[%add3A_24, %dma_wait3A_101] : memref<4096x1024xf32, #tpu.memory_space<hbm>> -> memref<32x1024xf32, #tpu.memory_space<hbm>>
      %dma_wait3A_103 = arith.constant 0 : i32
      %dma_wait3A_104 = tpu.memref_slice %arg6[%add3A_24, %dma_wait3A_103] : memref<4096x1024xf32, #tpu.memory_space<hbm>> -> memref<32x1024xf32, #tpu.memory_space<hbm>>
      tpu.wait_dma2 semaphore(%run_scoped3A : memref<!tpu.dma_semaphore, #tpu.memory_space<semaphore_mem>>) src(%arg10 : memref<32x1024xf32, #tpu.memory_space<vmem>>) dst(%dma_wait3A_104 : memref<32x1024xf32, #tpu.memory_space<hbm>>)
      tpu.yield
    }) : () -> ()
    %dma_start3A_25 = arith.constant 32 : i32
    %dma_start3A_26 = tpu.memref_slice %arg7[%dma_start3A_25] : memref<128xi32, #tpu.memory_space<vmem>> -> memref<32xi32, #tpu.memory_space<vmem>>
    %dma_start3A_27 = arith.constant 0 : i32
    %dma_start3A_28 = arith.constant 0 : i32
    %dma_start3A_29 = tpu.memref_slice %arg4[%dma_start3A_27, %dma_start3A_28] : memref<5120x1024xf32, #tpu.memory_space<hbm>> -> memref<5120x1024xf32, #tpu.memory_space<hbm>>
    tpu.enqueue_indirect_dma source(%dma_start3A_29 : memref<5120x1024xf32, #tpu.memory_space<hbm>>) target(%arg9 : memref<32x1024xf32, #tpu.memory_space<vmem>>) offsets(%dma_start3A_26 : memref<32xi32, #tpu.memory_space<vmem>>) semaphore(%arg11 : memref<!tpu.dma_semaphore, #tpu.memory_space<semaphore_mem>>)
    %dma_start3A_30 = arith.constant 32 : i32
    %dma_start3A_31 = tpu.memref_slice %arg8[%dma_start3A_30] : memref<128xi32, #tpu.memory_space<vmem>> -> memref<32xi32, #tpu.memory_space<vmem>>
    %dma_start3A_32 = arith.constant 0 : i32
    %dma_start3A_33 = arith.constant 0 : i32
    %dma_start3A_34 = tpu.memref_slice %arg4[%dma_start3A_32, %dma_start3A_33] : memref<5120x1024xf32, #tpu.memory_space<hbm>> -> memref<5120x1024xf32, #tpu.memory_space<hbm>>
    tpu.enqueue_indirect_dma source(%dma_start3A_34 : memref<5120x1024xf32, #tpu.memory_space<hbm>>) target(%arg10 : memref<32x1024xf32, #tpu.memory_space<vmem>>) offsets(%dma_start3A_31 : memref<32xi32, #tpu.memory_space<vmem>>) semaphore(%arg12 : memref<!tpu.dma_semaphore, #tpu.memory_space<semaphore_mem>>)
    %dma_wait3A_35 = arith.constant 32 : i32
    %dma_wait3A_36 = tpu.memref_slice %arg7[%dma_wait3A_35] : memref<128xi32, #tpu.memory_space<vmem>> -> memref<32xi32, #tpu.memory_space<vmem>>
    %dma_wait3A_37 = arith.constant 0 : i32
    %dma_wait3A_38 = arith.constant 0 : i32
    %dma_wait3A_39 = tpu.memref_slice %arg4[%dma_wait3A_37, %dma_wait3A_38] : memref<5120x1024xf32, #tpu.memory_space<hbm>> -> memref<5120x1024xf32, #tpu.memory_space<hbm>>
    tpu.wait_indirect_dma semaphore(%arg11 : memref<!tpu.dma_semaphore, #tpu.memory_space<semaphore_mem>>) src(%dma_wait3A_39 : memref<5120x1024xf32, #tpu.memory_space<hbm>>) dst(%arg9 : memref<32x1024xf32, #tpu.memory_space<vmem>>)
    %add3A_40 = arith.constant 32 : i32
    %add3A_41 = arith.addi %mul3A_2, %add3A_40 : i32
    "tpu.region"() ({
      %run_scoped3A = tpu.sem_alloc : memref<!tpu.dma_semaphore, #tpu.memory_space<semaphore_mem>>
      %dma_start3A_97 = arith.constant 0 : i32
      %dma_start3A_98 = tpu.memref_slice %arg5[%add3A_41, %dma_start3A_97] : memref<4096x1024xf32, #tpu.memory_space<hbm>> -> memref<32x1024xf32, #tpu.memory_space<hbm>>
      %dma_start3A_99 = arith.constant 0 : i32
      %dma_start3A_100 = tpu.memref_slice %arg5[%add3A_41, %dma_start3A_99] : memref<4096x1024xf32, #tpu.memory_space<hbm>> -> memref<32x1024xf32, #tpu.memory_space<hbm>>
      tpu.enqueue_dma source(%arg9 : memref<32x1024xf32, #tpu.memory_space<vmem>>) target(%dma_start3A_100 : memref<32x1024xf32, #tpu.memory_space<hbm>>) target_semaphore(%run_scoped3A : memref<!tpu.dma_semaphore, #tpu.memory_space<semaphore_mem>>)
      %dma_wait3A_101 = arith.constant 0 : i32
      %dma_wait3A_102 = tpu.memref_slice %arg5[%add3A_41, %dma_wait3A_101] : memref<4096x1024xf32, #tpu.memory_space<hbm>> -> memref<32x1024xf32, #tpu.memory_space<hbm>>
      %dma_wait3A_103 = arith.constant 0 : i32
      %dma_wait3A_104 = tpu.memref_slice %arg5[%add3A_41, %dma_wait3A_103] : memref<4096x1024xf32, #tpu.memory_space<hbm>> -> memref<32x1024xf32, #tpu.memory_space<hbm>>
      tpu.wait_dma2 semaphore(%run_scoped3A : memref<!tpu.dma_semaphore, #tpu.memory_space<semaphore_mem>>) src(%arg9 : memref<32x1024xf32, #tpu.memory_space<vmem>>) dst(%dma_wait3A_104 : memref<32x1024xf32, #tpu.memory_space<hbm>>)
      tpu.yield
    }) : () -> ()
    %dma_wait3A_42 = arith.constant 32 : i32
    %dma_wait3A_43 = tpu.memref_slice %arg8[%dma_wait3A_42] : memref<128xi32, #tpu.memory_space<vmem>> -> memref<32xi32, #tpu.memory_space<vmem>>
    %dma_wait3A_44 = arith.constant 0 : i32
    %dma_wait3A_45 = arith.constant 0 : i32
    %dma_wait3A_46 = tpu.memref_slice %arg4[%dma_wait3A_44, %dma_wait3A_45] : memref<5120x1024xf32, #tpu.memory_space<hbm>> -> memref<5120x1024xf32, #tpu.memory_space<hbm>>
    tpu.wait_indirect_dma semaphore(%arg12 : memref<!tpu.dma_semaphore, #tpu.memory_space<semaphore_mem>>) src(%dma_wait3A_46 : memref<5120x1024xf32, #tpu.memory_space<hbm>>) dst(%arg10 : memref<32x1024xf32, #tpu.memory_space<vmem>>)
    %add3A_47 = arith.constant 32 : i32
    %add3A_48 = arith.addi %mul3A_2, %add3A_47 : i32
    "tpu.region"() ({
      %run_scoped3A = tpu.sem_alloc : memref<!tpu.dma_semaphore, #tpu.memory_space<semaphore_mem>>
      %dma_start3A_97 = arith.constant 0 : i32
      %dma_start3A_98 = tpu.memref_slice %arg6[%add3A_48, %dma_start3A_97] : memref<4096x1024xf32, #tpu.memory_space<hbm>> -> memref<32x1024xf32, #tpu.memory_space<hbm>>
      %dma_start3A_99 = arith.constant 0 : i32
      %dma_start3A_100 = tpu.memref_slice %arg6[%add3A_48, %dma_start3A_99] : memref<4096x1024xf32, #tpu.memory_space<hbm>> -> memref<32x1024xf32, #tpu.memory_space<hbm>>
      tpu.enqueue_dma source(%arg10 : memref<32x1024xf32, #tpu.memory_space<vmem>>) target(%dma_start3A_100 : memref<32x1024xf32, #tpu.memory_space<hbm>>) target_semaphore(%run_scoped3A : memref<!tpu.dma_semaphore, #tpu.memory_space<semaphore_mem>>)
      %dma_wait3A_101 = arith.constant 0 : i32
      %dma_wait3A_102 = tpu.memref_slice %arg6[%add3A_48, %dma_wait3A_101] : memref<4096x1024xf32, #tpu.memory_space<hbm>> -> memref<32x1024xf32, #tpu.memory_space<hbm>>
      %dma_wait3A_103 = arith.constant 0 : i32
      %dma_wait3A_104 = tpu.memref_slice %arg6[%add3A_48, %dma_wait3A_103] : memref<4096x1024xf32, #tpu.memory_space<hbm>> -> memref<32x1024xf32, #tpu.memory_space<hbm>>
      tpu.wait_dma2 semaphore(%run_scoped3A : memref<!tpu.dma_semaphore, #tpu.memory_space<semaphore_mem>>) src(%arg10 : memref<32x1024xf32, #tpu.memory_space<vmem>>) dst(%dma_wait3A_104 : memref<32x1024xf32, #tpu.memory_space<hbm>>)
      tpu.yield
    }) : () -> ()
    %dma_start3A_49 = arith.constant 64 : i32
    %dma_start3A_50 = tpu.memref_slice %arg7[%dma_start3A_49] : memref<128xi32, #tpu.memory_space<vmem>> -> memref<32xi32, #tpu.memory_space<vmem>>
    %dma_start3A_51 = arith.constant 0 : i32
    %dma_start3A_52 = arith.constant 0 : i32
    %dma_start3A_53 = tpu.memref_slice %arg4[%dma_start3A_51, %dma_start3A_52] : memref<5120x1024xf32, #tpu.memory_space<hbm>> -> memref<5120x1024xf32, #tpu.memory_space<hbm>>
    tpu.enqueue_indirect_dma source(%dma_start3A_53 : memref<5120x1024xf32, #tpu.memory_space<hbm>>) target(%arg9 : memref<32x1024xf32, #tpu.memory_space<vmem>>) offsets(%dma_start3A_50 : memref<32xi32, #tpu.memory_space<vmem>>) semaphore(%arg11 : memref<!tpu.dma_semaphore, #tpu.memory_space<semaphore_mem>>)
    %dma_start3A_54 = arith.constant 64 : i32
    %dma_start3A_55 = tpu.memref_slice %arg8[%dma_start3A_54] : memref<128xi32, #tpu.memory_space<vmem>> -> memref<32xi32, #tpu.memory_space<vmem>>
    %dma_start3A_56 = arith.constant 0 : i32
    %dma_start3A_57 = arith.constant 0 : i32
    %dma_start3A_58 = tpu.memref_slice %arg4[%dma_start3A_56, %dma_start3A_57] : memref<5120x1024xf32, #tpu.memory_space<hbm>> -> memref<5120x1024xf32, #tpu.memory_space<hbm>>
    tpu.enqueue_indirect_dma source(%dma_start3A_58 : memref<5120x1024xf32, #tpu.memory_space<hbm>>) target(%arg10 : memref<32x1024xf32, #tpu.memory_space<vmem>>) offsets(%dma_start3A_55 : memref<32xi32, #tpu.memory_space<vmem>>) semaphore(%arg12 : memref<!tpu.dma_semaphore, #tpu.memory_space<semaphore_mem>>)
    %dma_wait3A_59 = arith.constant 64 : i32
    %dma_wait3A_60 = tpu.memref_slice %arg7[%dma_wait3A_59] : memref<128xi32, #tpu.memory_space<vmem>> -> memref<32xi32, #tpu.memory_space<vmem>>
    %dma_wait3A_61 = arith.constant 0 : i32
    %dma_wait3A_62 = arith.constant 0 : i32
    %dma_wait3A_63 = tpu.memref_slice %arg4[%dma_wait3A_61, %dma_wait3A_62] : memref<5120x1024xf32, #tpu.memory_space<hbm>> -> memref<5120x1024xf32, #tpu.memory_space<hbm>>
    tpu.wait_indirect_dma semaphore(%arg11 : memref<!tpu.dma_semaphore, #tpu.memory_space<semaphore_mem>>) src(%dma_wait3A_63 : memref<5120x1024xf32, #tpu.memory_space<hbm>>) dst(%arg9 : memref<32x1024xf32, #tpu.memory_space<vmem>>)
    %add3A_64 = arith.constant 64 : i32
    %add3A_65 = arith.addi %mul3A_2, %add3A_64 : i32
    "tpu.region"() ({
      %run_scoped3A = tpu.sem_alloc : memref<!tpu.dma_semaphore, #tpu.memory_space<semaphore_mem>>
      %dma_start3A_97 = arith.constant 0 : i32
      %dma_start3A_98 = tpu.memref_slice %arg5[%add3A_65, %dma_start3A_97] : memref<4096x1024xf32, #tpu.memory_space<hbm>> -> memref<32x1024xf32, #tpu.memory_space<hbm>>
      %dma_start3A_99 = arith.constant 0 : i32
      %dma_start3A_100 = tpu.memref_slice %arg5[%add3A_65, %dma_start3A_99] : memref<4096x1024xf32, #tpu.memory_space<hbm>> -> memref<32x1024xf32, #tpu.memory_space<hbm>>
      tpu.enqueue_dma source(%arg9 : memref<32x1024xf32, #tpu.memory_space<vmem>>) target(%dma_start3A_100 : memref<32x1024xf32, #tpu.memory_space<hbm>>) target_semaphore(%run_scoped3A : memref<!tpu.dma_semaphore, #tpu.memory_space<semaphore_mem>>)
      %dma_wait3A_101 = arith.constant 0 : i32
      %dma_wait3A_102 = tpu.memref_slice %arg5[%add3A_65, %dma_wait3A_101] : memref<4096x1024xf32, #tpu.memory_space<hbm>> -> memref<32x1024xf32, #tpu.memory_space<hbm>>
      %dma_wait3A_103 = arith.constant 0 : i32
      %dma_wait3A_104 = tpu.memref_slice %arg5[%add3A_65, %dma_wait3A_103] : memref<4096x1024xf32, #tpu.memory_space<hbm>> -> memref<32x1024xf32, #tpu.memory_space<hbm>>
      tpu.wait_dma2 semaphore(%run_scoped3A : memref<!tpu.dma_semaphore, #tpu.memory_space<semaphore_mem>>) src(%arg9 : memref<32x1024xf32, #tpu.memory_space<vmem>>) dst(%dma_wait3A_104 : memref<32x1024xf32, #tpu.memory_space<hbm>>)
      tpu.yield
    }) : () -> ()
    %dma_wait3A_66 = arith.constant 64 : i32
    %dma_wait3A_67 = tpu.memref_slice %arg8[%dma_wait3A_66] : memref<128xi32, #tpu.memory_space<vmem>> -> memref<32xi32, #tpu.memory_space<vmem>>
    %dma_wait3A_68 = arith.constant 0 : i32
    %dma_wait3A_69 = arith.constant 0 : i32
    %dma_wait3A_70 = tpu.memref_slice %arg4[%dma_wait3A_68, %dma_wait3A_69] : memref<5120x1024xf32, #tpu.memory_space<hbm>> -> memref<5120x1024xf32, #tpu.memory_space<hbm>>
    tpu.wait_indirect_dma semaphore(%arg12 : memref<!tpu.dma_semaphore, #tpu.memory_space<semaphore_mem>>) src(%dma_wait3A_70 : memref<5120x1024xf32, #tpu.memory_space<hbm>>) dst(%arg10 : memref<32x1024xf32, #tpu.memory_space<vmem>>)
    %add3A_71 = arith.constant 64 : i32
    %add3A_72 = arith.addi %mul3A_2, %add3A_71 : i32
    "tpu.region"() ({
      %run_scoped3A = tpu.sem_alloc : memref<!tpu.dma_semaphore, #tpu.memory_space<semaphore_mem>>
      %dma_start3A_97 = arith.constant 0 : i32
      %dma_start3A_98 = tpu.memref_slice %arg6[%add3A_72, %dma_start3A_97] : memref<4096x1024xf32, #tpu.memory_space<hbm>> -> memref<32x1024xf32, #tpu.memory_space<hbm>>
      %dma_start3A_99 = arith.constant 0 : i32
      %dma_start3A_100 = tpu.memref_slice %arg6[%add3A_72, %dma_start3A_99] : memref<4096x1024xf32, #tpu.memory_space<hbm>> -> memref<32x1024xf32, #tpu.memory_space<hbm>>
      tpu.enqueue_dma source(%arg10 : memref<32x1024xf32, #tpu.memory_space<vmem>>) target(%dma_start3A_100 : memref<32x1024xf32, #tpu.memory_space<hbm>>) target_semaphore(%run_scoped3A : memref<!tpu.dma_semaphore, #tpu.memory_space<semaphore_mem>>)
      %dma_wait3A_101 = arith.constant 0 : i32
      %dma_wait3A_102 = tpu.memref_slice %arg6[%add3A_72, %dma_wait3A_101] : memref<4096x1024xf32, #tpu.memory_space<hbm>> -> memref<32x1024xf32, #tpu.memory_space<hbm>>
      %dma_wait3A_103 = arith.constant 0 : i32
      %dma_wait3A_104 = tpu.memref_slice %arg6[%add3A_72, %dma_wait3A_103] : memref<4096x1024xf32, #tpu.memory_space<hbm>> -> memref<32x1024xf32, #tpu.memory_space<hbm>>
      tpu.wait_dma2 semaphore(%run_scoped3A : memref<!tpu.dma_semaphore, #tpu.memory_space<semaphore_mem>>) src(%arg10 : memref<32x1024xf32, #tpu.memory_space<vmem>>) dst(%dma_wait3A_104 : memref<32x1024xf32, #tpu.memory_space<hbm>>)
      tpu.yield
    }) : () -> ()
    %dma_start3A_73 = arith.constant 96 : i32
    %dma_start3A_74 = tpu.memref_slice %arg7[%dma_start3A_73] : memref<128xi32, #tpu.memory_space<vmem>> -> memref<32xi32, #tpu.memory_space<vmem>>
    %dma_start3A_75 = arith.constant 0 : i32
    %dma_start3A_76 = arith.constant 0 : i32
    %dma_start3A_77 = tpu.memref_slice %arg4[%dma_start3A_75, %dma_start3A_76] : memref<5120x1024xf32, #tpu.memory_space<hbm>> -> memref<5120x1024xf32, #tpu.memory_space<hbm>>
    tpu.enqueue_indirect_dma source(%dma_start3A_77 : memref<5120x1024xf32, #tpu.memory_space<hbm>>) target(%arg9 : memref<32x1024xf32, #tpu.memory_space<vmem>>) offsets(%dma_start3A_74 : memref<32xi32, #tpu.memory_space<vmem>>) semaphore(%arg11 : memref<!tpu.dma_semaphore, #tpu.memory_space<semaphore_mem>>)
    %dma_start3A_78 = arith.constant 96 : i32
    %dma_start3A_79 = tpu.memref_slice %arg8[%dma_start3A_78] : memref<128xi32, #tpu.memory_space<vmem>> -> memref<32xi32, #tpu.memory_space<vmem>>
    %dma_start3A_80 = arith.constant 0 : i32
    %dma_start3A_81 = arith.constant 0 : i32
    %dma_start3A_82 = tpu.memref_slice %arg4[%dma_start3A_80, %dma_start3A_81] : memref<5120x1024xf32, #tpu.memory_space<hbm>> -> memref<5120x1024xf32, #tpu.memory_space<hbm>>
    tpu.enqueue_indirect_dma source(%dma_start3A_82 : memref<5120x1024xf32, #tpu.memory_space<hbm>>) target(%arg10 : memref<32x1024xf32, #tpu.memory_space<vmem>>) offsets(%dma_start3A_79 : memref<32xi32, #tpu.memory_space<vmem>>) semaphore(%arg12 : memref<!tpu.dma_semaphore, #tpu.memory_space<semaphore_mem>>)
    %dma_wait3A_83 = arith.constant 96 : i32
    %dma_wait3A_84 = tpu.memref_slice %arg7[%dma_wait3A_83] : memref<128xi32, #tpu.memory_space<vmem>> -> memref<32xi32, #tpu.memory_space<vmem>>
    %dma_wait3A_85 = arith.constant 0 : i32
    %dma_wait3A_86 = arith.constant 0 : i32
    %dma_wait3A_87 = tpu.memref_slice %arg4[%dma_wait3A_85, %dma_wait3A_86] : memref<5120x1024xf32, #tpu.memory_space<hbm>> -> memref<5120x1024xf32, #tpu.memory_space<hbm>>
    tpu.wait_indirect_dma semaphore(%arg11 : memref<!tpu.dma_semaphore, #tpu.memory_space<semaphore_mem>>) src(%dma_wait3A_87 : memref<5120x1024xf32, #tpu.memory_space<hbm>>) dst(%arg9 : memref<32x1024xf32, #tpu.memory_space<vmem>>)
    %add3A_88 = arith.constant 96 : i32
    %add3A_89 = arith.addi %mul3A_2, %add3A_88 : i32
    "tpu.region"() ({
      %run_scoped3A = tpu.sem_alloc : memref<!tpu.dma_semaphore, #tpu.memory_space<semaphore_mem>>
      %dma_start3A_97 = arith.constant 0 : i32
      %dma_start3A_98 = tpu.memref_slice %arg5[%add3A_89, %dma_start3A_97] : memref<4096x1024xf32, #tpu.memory_space<hbm>> -> memref<32x1024xf32, #tpu.memory_space<hbm>>
      %dma_start3A_99 = arith.constant 0 : i32
      %dma_start3A_100 = tpu.memref_slice %arg5[%add3A_89, %dma_start3A_99] : memref<4096x1024xf32, #tpu.memory_space<hbm>> -> memref<32x1024xf32, #tpu.memory_space<hbm>>
      tpu.enqueue_dma source(%arg9 : memref<32x1024xf32, #tpu.memory_space<vmem>>) target(%dma_start3A_100 : memref<32x1024xf32, #tpu.memory_space<hbm>>) target_semaphore(%run_scoped3A : memref<!tpu.dma_semaphore, #tpu.memory_space<semaphore_mem>>)
      %dma_wait3A_101 = arith.constant 0 : i32
      %dma_wait3A_102 = tpu.memref_slice %arg5[%add3A_89, %dma_wait3A_101] : memref<4096x1024xf32, #tpu.memory_space<hbm>> -> memref<32x1024xf32, #tpu.memory_space<hbm>>
      %dma_wait3A_103 = arith.constant 0 : i32
      %dma_wait3A_104 = tpu.memref_slice %arg5[%add3A_89, %dma_wait3A_103] : memref<4096x1024xf32, #tpu.memory_space<hbm>> -> memref<32x1024xf32, #tpu.memory_space<hbm>>
      tpu.wait_dma2 semaphore(%run_scoped3A : memref<!tpu.dma_semaphore, #tpu.memory_space<semaphore_mem>>) src(%arg9 : memref<32x1024xf32, #tpu.memory_space<vmem>>) dst(%dma_wait3A_104 : memref<32x1024xf32, #tpu.memory_space<hbm>>)
      tpu.yield
    }) : () -> ()
    %dma_wait3A_90 = arith.constant 96 : i32
    %dma_wait3A_91 = tpu.memref_slice %arg8[%dma_wait3A_90] : memref<128xi32, #tpu.memory_space<vmem>> -> memref<32xi32, #tpu.memory_space<vmem>>
    %dma_wait3A_92 = arith.constant 0 : i32
    %dma_wait3A_93 = arith.constant 0 : i32
    %dma_wait3A_94 = tpu.memref_slice %arg4[%dma_wait3A_92, %dma_wait3A_93] : memref<5120x1024xf32, #tpu.memory_space<hbm>> -> memref<5120x1024xf32, #tpu.memory_space<hbm>>
    tpu.wait_indirect_dma semaphore(%arg12 : memref<!tpu.dma_semaphore, #tpu.memory_space<semaphore_mem>>) src(%dma_wait3A_94 : memref<5120x1024xf32, #tpu.memory_space<hbm>>) dst(%arg10 : memref<32x1024xf32, #tpu.memory_space<vmem>>)
    %add3A_95 = arith.constant 96 : i32
    %add3A_96 = arith.addi %mul3A_2, %add3A_95 : i32
    "tpu.region"() ({
      %run_scoped3A = tpu.sem_alloc : memref<!tpu.dma_semaphore, #tpu.memory_space<semaphore_mem>>
      %dma_start3A_97 = arith.constant 0 : i32
      %dma_start3A_98 = tpu.memref_slice %arg6[%add3A_96, %dma_start3A_97] : memref<4096x1024xf32, #tpu.memory_space<hbm>> -> memref<32x1024xf32, #tpu.memory_space<hbm>>
      %dma_start3A_99 = arith.constant 0 : i32
      %dma_start3A_100 = tpu.memref_slice %arg6[%add3A_96, %dma_start3A_99] : memref<4096x1024xf32, #tpu.memory_space<hbm>> -> memref<32x1024xf32, #tpu.memory_space<hbm>>
      tpu.enqueue_dma source(%arg10 : memref<32x1024xf32, #tpu.memory_space<vmem>>) target(%dma_start3A_100 : memref<32x1024xf32, #tpu.memory_space<hbm>>) target_semaphore(%run_scoped3A : memref<!tpu.dma_semaphore, #tpu.memory_space<semaphore_mem>>)
      %dma_wait3A_101 = arith.constant 0 : i32
      %dma_wait3A_102 = tpu.memref_slice %arg6[%add3A_96, %dma_wait3A_101] : memref<4096x1024xf32, #tpu.memory_space<hbm>> -> memref<32x1024xf32, #tpu.memory_space<hbm>>
      %dma_wait3A_103 = arith.constant 0 : i32
      %dma_wait3A_104 = tpu.memref_slice %arg6[%add3A_96, %dma_wait3A_103] : memref<4096x1024xf32, #tpu.memory_space<hbm>> -> memref<32x1024xf32, #tpu.memory_space<hbm>>
      tpu.wait_dma2 semaphore(%run_scoped3A : memref<!tpu.dma_semaphore, #tpu.memory_space<semaphore_mem>>) src(%arg10 : memref<32x1024xf32, #tpu.memory_space<vmem>>) dst(%dma_wait3A_104 : memref<32x1024xf32, #tpu.memory_space<hbm>>)
      tpu.yield
    }) : () -> ()
    return
  }
}

#map = affine_map<(d0, d1) -> (0)>
#map1 = affine_map<(d0, d1) -> (0, 0)>
module attributes {stable_mosaic.version = 14 : i64} {
  func.func @k(%arg0: i32, %arg1: i32, %arg2: memref<5120xi32, #tpu.memory_space<hbm>>, %arg3: memref<4097x1024xf32, #tpu.memory_space<hbm>>, %arg4: memref<5120x1024xf32, #tpu.memory_space<hbm>>, %arg5: memref<160xi32, #tpu.memory_space<vmem>>, %arg6: memref<80x1024xf32, #tpu.memory_space<vmem>>, %arg7: memref<!tpu.dma_semaphore, #tpu.memory_space<semaphore_mem>>) attributes {dimension_semantics = [#tpu.dimension_semantics<core_parallel>, #tpu.dimension_semantics<subcore_parallel>], iteration_bounds = array<i64: 2, 16>, scalar_prefetch = 0 : i64, scratch_operands = 3 : i64, tpu.core_type = #tpu.core_type<sc_vector_subcore>, window_params = [{transform_indices = #map}, {transform_indices = #map1}, {transform_indices = #map1}]} {
    %mul3A = arith.constant 2 : i32
    %mul3A_0 = arith.muli %arg1, %mul3A : i32
    %add3A = arith.addi %mul3A_0, %arg0 : i32
    %mul3A_1 = arith.constant 160 : i32
    %mul3A_2 = arith.muli %add3A, %mul3A_1 : i32
    "tpu.region"() ({
      %run_scoped3A = tpu.sem_alloc : memref<!tpu.dma_semaphore, #tpu.memory_space<semaphore_mem>>
      %dma_start3A_25 = tpu.memref_slice %arg2[%mul3A_2] : memref<5120xi32, #tpu.memory_space<hbm>> -> memref<160xi32, #tpu.memory_space<hbm>>
      %dma_start3A_26 = tpu.memref_slice %arg2[%mul3A_2] : memref<5120xi32, #tpu.memory_space<hbm>> -> memref<160xi32, #tpu.memory_space<hbm>>
      tpu.enqueue_dma source(%dma_start3A_26 : memref<160xi32, #tpu.memory_space<hbm>>) target(%arg5 : memref<160xi32, #tpu.memory_space<vmem>>) target_semaphore(%run_scoped3A : memref<!tpu.dma_semaphore, #tpu.memory_space<semaphore_mem>>)
      %dma_wait3A_27 = tpu.memref_slice %arg2[%mul3A_2] : memref<5120xi32, #tpu.memory_space<hbm>> -> memref<160xi32, #tpu.memory_space<hbm>>
      %dma_wait3A_28 = tpu.memref_slice %arg2[%mul3A_2] : memref<5120xi32, #tpu.memory_space<hbm>> -> memref<160xi32, #tpu.memory_space<hbm>>
      tpu.wait_dma2 semaphore(%run_scoped3A : memref<!tpu.dma_semaphore, #tpu.memory_space<semaphore_mem>>) src(%dma_wait3A_28 : memref<160xi32, #tpu.memory_space<hbm>>) dst(%arg5 : memref<160xi32, #tpu.memory_space<vmem>>)
      tpu.yield
    }) : () -> ()
    %dma_start3A = arith.constant 0 : i32
    %dma_start3A_3 = tpu.memref_slice %arg5[%dma_start3A] : memref<160xi32, #tpu.memory_space<vmem>> -> memref<80xi32, #tpu.memory_space<vmem>>
    %dma_start3A_4 = arith.constant 0 : i32
    %dma_start3A_5 = arith.constant 0 : i32
    %dma_start3A_6 = tpu.memref_slice %arg3[%dma_start3A_4, %dma_start3A_5] : memref<4097x1024xf32, #tpu.memory_space<hbm>> -> memref<4097x1024xf32, #tpu.memory_space<hbm>>
    tpu.enqueue_indirect_dma source(%dma_start3A_6 : memref<4097x1024xf32, #tpu.memory_space<hbm>>) target(%arg6 : memref<80x1024xf32, #tpu.memory_space<vmem>>) offsets(%dma_start3A_3 : memref<80xi32, #tpu.memory_space<vmem>>) semaphore(%arg7 : memref<!tpu.dma_semaphore, #tpu.memory_space<semaphore_mem>>)
    %dma_wait3A = arith.constant 0 : i32
    %dma_wait3A_7 = tpu.memref_slice %arg5[%dma_wait3A] : memref<160xi32, #tpu.memory_space<vmem>> -> memref<80xi32, #tpu.memory_space<vmem>>
    %dma_wait3A_8 = arith.constant 0 : i32
    %dma_wait3A_9 = arith.constant 0 : i32
    %dma_wait3A_10 = tpu.memref_slice %arg3[%dma_wait3A_8, %dma_wait3A_9] : memref<4097x1024xf32, #tpu.memory_space<hbm>> -> memref<4097x1024xf32, #tpu.memory_space<hbm>>
    tpu.wait_indirect_dma semaphore(%arg7 : memref<!tpu.dma_semaphore, #tpu.memory_space<semaphore_mem>>) src(%dma_wait3A_10 : memref<4097x1024xf32, #tpu.memory_space<hbm>>) dst(%arg6 : memref<80x1024xf32, #tpu.memory_space<vmem>>)
    %add3A_11 = arith.constant 0 : i32
    %add3A_12 = arith.addi %mul3A_2, %add3A_11 : i32
    "tpu.region"() ({
      %run_scoped3A = tpu.sem_alloc : memref<!tpu.dma_semaphore, #tpu.memory_space<semaphore_mem>>
      %dma_start3A_25 = arith.constant 0 : i32
      %dma_start3A_26 = tpu.memref_slice %arg4[%add3A_12, %dma_start3A_25] : memref<5120x1024xf32, #tpu.memory_space<hbm>> -> memref<80x1024xf32, #tpu.memory_space<hbm>>
      %dma_start3A_27 = arith.constant 0 : i32
      %dma_start3A_28 = tpu.memref_slice %arg4[%add3A_12, %dma_start3A_27] : memref<5120x1024xf32, #tpu.memory_space<hbm>> -> memref<80x1024xf32, #tpu.memory_space<hbm>>
      tpu.enqueue_dma source(%arg6 : memref<80x1024xf32, #tpu.memory_space<vmem>>) target(%dma_start3A_28 : memref<80x1024xf32, #tpu.memory_space<hbm>>) target_semaphore(%run_scoped3A : memref<!tpu.dma_semaphore, #tpu.memory_space<semaphore_mem>>)
      %dma_wait3A_29 = arith.constant 0 : i32
      %dma_wait3A_30 = tpu.memref_slice %arg4[%add3A_12, %dma_wait3A_29] : memref<5120x1024xf32, #tpu.memory_space<hbm>> -> memref<80x1024xf32, #tpu.memory_space<hbm>>
      %dma_wait3A_31 = arith.constant 0 : i32
      %dma_wait3A_32 = tpu.memref_slice %arg4[%add3A_12, %dma_wait3A_31] : memref<5120x1024xf32, #tpu.memory_space<hbm>> -> memref<80x1024xf32, #tpu.memory_space<hbm>>
      tpu.wait_dma2 semaphore(%run_scoped3A : memref<!tpu.dma_semaphore, #tpu.memory_space<semaphore_mem>>) src(%arg6 : memref<80x1024xf32, #tpu.memory_space<vmem>>) dst(%dma_wait3A_32 : memref<80x1024xf32, #tpu.memory_space<hbm>>)
      tpu.yield
    }) : () -> ()
    %dma_start3A_13 = arith.constant 80 : i32
    %dma_start3A_14 = tpu.memref_slice %arg5[%dma_start3A_13] : memref<160xi32, #tpu.memory_space<vmem>> -> memref<80xi32, #tpu.memory_space<vmem>>
    %dma_start3A_15 = arith.constant 0 : i32
    %dma_start3A_16 = arith.constant 0 : i32
    %dma_start3A_17 = tpu.memref_slice %arg3[%dma_start3A_15, %dma_start3A_16] : memref<4097x1024xf32, #tpu.memory_space<hbm>> -> memref<4097x1024xf32, #tpu.memory_space<hbm>>
    tpu.enqueue_indirect_dma source(%dma_start3A_17 : memref<4097x1024xf32, #tpu.memory_space<hbm>>) target(%arg6 : memref<80x1024xf32, #tpu.memory_space<vmem>>) offsets(%dma_start3A_14 : memref<80xi32, #tpu.memory_space<vmem>>) semaphore(%arg7 : memref<!tpu.dma_semaphore, #tpu.memory_space<semaphore_mem>>)
    %dma_wait3A_18 = arith.constant 80 : i32
    %dma_wait3A_19 = tpu.memref_slice %arg5[%dma_wait3A_18] : memref<160xi32, #tpu.memory_space<vmem>> -> memref<80xi32, #tpu.memory_space<vmem>>
    %dma_wait3A_20 = arith.constant 0 : i32
    %dma_wait3A_21 = arith.constant 0 : i32
    %dma_wait3A_22 = tpu.memref_slice %arg3[%dma_wait3A_20, %dma_wait3A_21] : memref<4097x1024xf32, #tpu.memory_space<hbm>> -> memref<4097x1024xf32, #tpu.memory_space<hbm>>
    tpu.wait_indirect_dma semaphore(%arg7 : memref<!tpu.dma_semaphore, #tpu.memory_space<semaphore_mem>>) src(%dma_wait3A_22 : memref<4097x1024xf32, #tpu.memory_space<hbm>>) dst(%arg6 : memref<80x1024xf32, #tpu.memory_space<vmem>>)
    %add3A_23 = arith.constant 80 : i32
    %add3A_24 = arith.addi %mul3A_2, %add3A_23 : i32
    "tpu.region"() ({
      %run_scoped3A = tpu.sem_alloc : memref<!tpu.dma_semaphore, #tpu.memory_space<semaphore_mem>>
      %dma_start3A_25 = arith.constant 0 : i32
      %dma_start3A_26 = tpu.memref_slice %arg4[%add3A_24, %dma_start3A_25] : memref<5120x1024xf32, #tpu.memory_space<hbm>> -> memref<80x1024xf32, #tpu.memory_space<hbm>>
      %dma_start3A_27 = arith.constant 0 : i32
      %dma_start3A_28 = tpu.memref_slice %arg4[%add3A_24, %dma_start3A_27] : memref<5120x1024xf32, #tpu.memory_space<hbm>> -> memref<80x1024xf32, #tpu.memory_space<hbm>>
      tpu.enqueue_dma source(%arg6 : memref<80x1024xf32, #tpu.memory_space<vmem>>) target(%dma_start3A_28 : memref<80x1024xf32, #tpu.memory_space<hbm>>) target_semaphore(%run_scoped3A : memref<!tpu.dma_semaphore, #tpu.memory_space<semaphore_mem>>)
      %dma_wait3A_29 = arith.constant 0 : i32
      %dma_wait3A_30 = tpu.memref_slice %arg4[%add3A_24, %dma_wait3A_29] : memref<5120x1024xf32, #tpu.memory_space<hbm>> -> memref<80x1024xf32, #tpu.memory_space<hbm>>
      %dma_wait3A_31 = arith.constant 0 : i32
      %dma_wait3A_32 = tpu.memref_slice %arg4[%add3A_24, %dma_wait3A_31] : memref<5120x1024xf32, #tpu.memory_space<hbm>> -> memref<80x1024xf32, #tpu.memory_space<hbm>>
      tpu.wait_dma2 semaphore(%run_scoped3A : memref<!tpu.dma_semaphore, #tpu.memory_space<semaphore_mem>>) src(%arg6 : memref<80x1024xf32, #tpu.memory_space<vmem>>) dst(%dma_wait3A_32 : memref<80x1024xf32, #tpu.memory_space<hbm>>)
      tpu.yield
    }) : () -> ()
    return
  }
}

module attributes {stable_mosaic.version = 14 : i64} {
  func.func @_table_body(%arg0: i32, %arg1: i32, %arg2: memref<512x8xi32, #tpu.memory_space<vmem>>, %arg3: memref<512x8xi32, #tpu.memory_space<vmem>>, %arg4: memref<1x1280xf32, #tpu.memory_space<vmem>>) attributes {dimension_semantics = [#tpu.dimension_semantics<parallel>, #tpu.dimension_semantics<arbitrary>], iteration_bounds = array<i64: 4, 8>, scalar_prefetch = 0 : i64, scratch_operands = 0 : i64, tpu.core_type = #tpu.core_type<tc>, window_params = [{transform_indices = @transform_0, window_bounds = array<i64: 512, 8>}, {transform_indices = @transform_1, window_bounds = array<i64: 512, 8>}, {transform_indices = @transform_2, window_bounds = array<i64: 1, 1280>}]} {
    %get3A = arith.constant 0 : index
    %get3A_0 = arith.constant 0 : index
    %get3A_1 = vector.load %arg2[%get3A, %get3A_0] : memref<512x8xi32, #tpu.memory_space<vmem>>, vector<512x1xi32>
    %get3A_2 = arith.constant 0 : index
    %get3A_3 = arith.constant 0 : index
    %get3A_4 = vector.load %arg3[%get3A_2, %get3A_3] : memref<512x8xi32, #tpu.memory_space<vmem>>, vector<512x1xi32>
    %iota3A = tpu.iota {dimensions = array<i32: 1>} : vector<512x1280xi32>
    %mul3A = arith.constant 1280 : i32
    %mul3A_5 = arith.muli %arg0, %mul3A : i32
    %add3A = vector.broadcast %mul3A_5 : i32 to vector<512x1280xi32>
    %add3A_6 = arith.addi %iota3A, %add3A : vector<512x1280xi32>
    %iota3A_7 = tpu.iota {dimensions = array<i32: 0>} : vector<512x1xi32>
    %mul3A_8 = arith.constant 512 : i32
    %mul3A_9 = arith.muli %arg1, %mul3A_8 : i32
    %add3A_10 = arith.constant 1 : i32
    %add3A_11 = arith.addi %mul3A_9, %add3A_10 : i32
    %add3A_12 = vector.broadcast %add3A_11 : i32 to vector<512x1xi32>
    %add3A_13 = arith.addi %iota3A_7, %add3A_12 : vector<512x1xi32>
    %convert_element_type3A = arith.sitofp %add3A_13 : vector<512x1xi32> to vector<512x1xf32>
    %eq3A = vector.broadcast %get3A_1 : vector<512x1xi32> to vector<512x1280xi32>
    %eq3A_14 = arith.cmpi eq, %eq3A, %add3A_6 : vector<512x1280xi32>
    %convert_element_type3A_15 = arith.extui %eq3A_14 : vector<512x1280xi1> to vector<512x1280xi32>
    %convert_element_type3A_16 = arith.sitofp %convert_element_type3A_15 : vector<512x1280xi32> to vector<512x1280xf32>
    %eq3A_17 = vector.broadcast %get3A_4 : vector<512x1xi32> to vector<512x1280xi32>
    %eq3A_18 = arith.cmpi eq, %eq3A_17, %add3A_6 : vector<512x1280xi32>
    %convert_element_type3A_19 = arith.extui %eq3A_18 : vector<512x1280xi1> to vector<512x1280xi32>
    %convert_element_type3A_20 = arith.sitofp %convert_element_type3A_19 : vector<512x1280xi32> to vector<512x1280xf32>
    %add3A_21 = arith.addf %convert_element_type3A_16, %convert_element_type3A_20 : vector<512x1280xf32>
    %mul3A_22 = vector.broadcast %convert_element_type3A : vector<512x1xf32> to vector<512x1280xf32>
    %mul3A_23 = arith.mulf %add3A_21, %mul3A_22 : vector<512x1280xf32>
    %reduce_sum3A = arith.constant dense<0.000000e+00> : vector<1280xf32>
    %reduce_sum3A_24 = vector.multi_reduction <add>, %mul3A_23, %reduce_sum3A [0] : vector<512x1280xf32> to vector<1280xf32>
    %broadcast_in_dim3A = vector.shape_cast %reduce_sum3A_24 : vector<1280xf32> to vector<1x1280xf32>
    %eq3A_25 = arith.constant 0 : i32
    %eq3A_26 = arith.cmpi eq, %arg1, %eq3A_25 : i32
    %convert_element_type3A_27 = arith.extui %eq3A_26 : i1 to i32
    %cond3A = arith.constant 0 : i32
    %cond3A_28 = arith.cmpi ne, %convert_element_type3A_27, %cond3A : i32
    scf.if %cond3A_28 {
      %swap3A = arith.constant 0 : index
      %swap3A_33 = arith.constant 0 : index
      %swap3A_34 = vector.load %arg4[%swap3A, %swap3A_33] : memref<1x1280xf32, #tpu.memory_space<vmem>>, vector<1x1280xf32>
      tpu.vector_store %arg4[%swap3A, %swap3A_33], %broadcast_in_dim3A {strides = array<i32>} : memref<1x1280xf32, #tpu.memory_space<vmem>>, vector<1x1280xf32>,
    } else {
    }
    %gt3A = arith.constant 0 : i32
    %gt3A_29 = arith.cmpi sgt, %arg1, %gt3A : i32
    %convert_element_type3A_30 = arith.extui %gt3A_29 : i1 to i32
    %cond3A_31 = arith.constant 0 : i32
    %cond3A_32 = arith.cmpi ne, %convert_element_type3A_30, %cond3A_31 : i32
    scf.if %cond3A_32 {
      %get3A_33 = arith.constant 0 : index
      %get3A_34 = arith.constant 0 : index
      %get3A_35 = vector.load %arg4[%get3A_33, %get3A_34] : memref<1x1280xf32, #tpu.memory_space<vmem>>, vector<1x1280xf32>
      %add3A_36 = arith.addf %get3A_35, %broadcast_in_dim3A : vector<1x1280xf32>
      %swap3A = arith.constant 0 : index
      %swap3A_37 = arith.constant 0 : index
      %swap3A_38 = vector.load %arg4[%swap3A, %swap3A_37] : memref<1x1280xf32, #tpu.memory_space<vmem>>, vector<1x1280xf32>
      tpu.vector_store %arg4[%swap3A, %swap3A_37], %add3A_36 {strides = array<i32>} : memref<1x1280xf32, #tpu.memory_space<vmem>>, vector<1x1280xf32>,
    } else {
    }
    return
  }
  func.func @transform_0(%arg0: i32, %arg1: i32) -> (i32, i32) {
    %c0_i32 = arith.constant 0 : i32
    %c0_i32_0 = arith.constant 0 : i32
    return %arg1, %c0_i32 : i32, i32
  }
  func.func @transform_1(%arg0: i32, %arg1: i32) -> (i32, i32) {
    %c0_i32 = arith.constant 0 : i32
    %c0_i32_0 = arith.constant 0 : i32
    return %arg1, %c0_i32 : i32, i32
  }
  func.func @transform_2(%arg0: i32, %arg1: i32) -> (i32, i32) {
    %c0_i32 = arith.constant 0 : i32
    %c0_i32_0 = arith.constant 0 : i32
    return %c0_i32, %arg0 : i32, i32
  }
}

module attributes {stable_mosaic.version = 14 : i64} {
  func.func @_gating_body(%arg0: i32, %arg1: i32, %arg2: memref<512x1024xf32, #tpu.memory_space<vmem>>, %arg3: memref<1024x8xf32, #tpu.memory_space<vmem>>, %arg4: memref<512x8xi32, #tpu.memory_space<vmem>>, %arg5: memref<512x8xi32, #tpu.memory_space<vmem>>, %arg6: memref<512x8xf32, #tpu.memory_space<vmem>>, %arg7: memref<512x8xi32, #tpu.memory_space<vmem>>, %arg8: memref<512x8xi32, #tpu.memory_space<vmem>>, %arg9: memref<512x8xf32, #tpu.memory_space<vmem>>, %arg10: memref<1x1xf32, #tpu.memory_space<vmem>>, %arg11: memref<8x128xf32, #tpu.memory_space<vmem>>) attributes {dimension_semantics = [#tpu.dimension_semantics<arbitrary>, #tpu.dimension_semantics<arbitrary>], iteration_bounds = array<i64: 2, 8>, scalar_prefetch = 0 : i64, scratch_operands = 1 : i64, tpu.core_type = #tpu.core_type<tc>, window_params = [{transform_indices = @transform_0, window_bounds = array<i64: 512, 1024>}, {pipeline_mode = #tpu.pipeline_mode<synchronous>, transform_indices = @transform_1, window_bounds = array<i64: 1024, 8>}, {transform_indices = @transform_2, window_bounds = array<i64: 512, 8>}, {transform_indices = @transform_3, window_bounds = array<i64: 512, 8>}, {transform_indices = @transform_4, window_bounds = array<i64: 512, 8>}, {transform_indices = @transform_5, window_bounds = array<i64: 512, 8>}, {transform_indices = @transform_6, window_bounds = array<i64: 512, 8>}, {transform_indices = @transform_7, window_bounds = array<i64: 512, 8>}, {pipeline_mode = #tpu.pipeline_mode<synchronous>, transform_indices = @transform_8, window_bounds = array<i64: 1, 1>}]} {
    %jit3A = arith.constant 4 : i32
    %div3A = arith.divsi %arg1, %jit3A : i32
    %sign3A = arith.constant 0 : i32
    %sign3A_0 = arith.cmpi sgt, %arg1, %sign3A : i32
    %sign3A_1 = arith.extui %sign3A_0 : i1 to i32
    %sign3A_2 = arith.constant 0 : i32
    %sign3A_3 = arith.cmpi slt, %arg1, %sign3A_2 : i32
    %sign3A_4 = arith.extui %sign3A_3 : i1 to i32
    %sign3A_5 = arith.subi %sign3A_1, %sign3A_4 : i32
    %sign3A_6 = arith.constant 0 : i32
    %sign3A_7 = arith.cmpi sgt, %jit3A, %sign3A_6 : i32
    %sign3A_8 = arith.extui %sign3A_7 : i1 to i32
    %sign3A_9 = arith.constant 0 : i32
    %sign3A_10 = arith.cmpi slt, %jit3A, %sign3A_9 : i32
    %sign3A_11 = arith.extui %sign3A_10 : i1 to i32
    %sign3A_12 = arith.subi %sign3A_8, %sign3A_11 : i32
    %ne3A = arith.cmpi ne, %sign3A_5, %sign3A_12 : i32
    %rem3A = arith.remsi %arg1, %jit3A : i32
    %ne3A_13 = arith.constant 0 : i32
    %ne3A_14 = arith.cmpi ne, %rem3A, %ne3A_13 : i32
    %and3A = arith.andi %ne3A, %ne3A_14 : i1
    %sub3A = arith.constant 1 : i32
    %sub3A_15 = arith.subi %div3A, %sub3A : i32
    %select_n3A = arith.select %and3A, %sub3A_15, %div3A : i32
    %jit3A_16 = arith.constant 4 : i32
    %eq3A = arith.constant 0 : i32
    %eq3A_17 = arith.cmpi eq, %jit3A_16, %eq3A : i32
    %jit3A_18 = arith.constant 1 : i32
    %select_n3A_19 = arith.select %eq3A_17, %jit3A_18, %jit3A_16 : i32
    %rem3A_20 = arith.remsi %arg1, %select_n3A_19 : i32
    %ne3A_21 = arith.constant 0 : i32
    %ne3A_22 = arith.cmpi ne, %rem3A_20, %ne3A_21 : i32
    %lt3A = arith.constant 0 : i32
    %lt3A_23 = arith.cmpi slt, %rem3A_20, %lt3A : i32
    %lt3A_24 = arith.constant 0 : i32
    %lt3A_25 = arith.cmpi slt, %select_n3A_19, %lt3A_24 : i32
    %ne3A_26 = arith.xori %lt3A_23, %lt3A_25 : i1
    %and3A_27 = arith.andi %ne3A_26, %ne3A_22 : i1
    %add3A = arith.addi %rem3A_20, %select_n3A_19 : i32
    %select_n3A_28 = arith.select %and3A_27, %add3A, %rem3A_20 : i32
    %eq3A_29 = arith.constant 0 : i32
    %eq3A_30 = arith.cmpi eq, %select_n3A_28, %eq3A_29 : i32
    %jit3A_31 = arith.constant 4 : i32
    %eq3A_32 = arith.constant 0 : i32
    %eq3A_33 = arith.cmpi eq, %jit3A_31, %eq3A_32 : i32
    %jit3A_34 = arith.constant 1 : i32
    %select_n3A_35 = arith.select %eq3A_33, %jit3A_34, %jit3A_31 : i32
    %rem3A_36 = arith.remsi %arg1, %select_n3A_35 : i32
    %ne3A_37 = arith.constant 0 : i32
    %ne3A_38 = arith.cmpi ne, %rem3A_36, %ne3A_37 : i32
    %lt3A_39 = arith.constant 0 : i32
    %lt3A_40 = arith.cmpi slt, %rem3A_36, %lt3A_39 : i32
    %lt3A_41 = arith.constant 0 : i32
    %lt3A_42 = arith.cmpi slt, %select_n3A_35, %lt3A_41 : i32
    %ne3A_43 = arith.xori %lt3A_40, %lt3A_42 : i1
    %and3A_44 = arith.andi %ne3A_43, %ne3A_38 : i1
    %add3A_45 = arith.addi %rem3A_36, %select_n3A_35 : i32
    %select_n3A_46 = arith.select %and3A_44, %add3A_45, %rem3A_36 : i32
    %eq3A_47 = arith.constant 3 : i32
    %eq3A_48 = arith.cmpi eq, %select_n3A_46, %eq3A_47 : i32
    %get3A = arith.constant 0 : index
    %get3A_49 = arith.constant 0 : index
    %get3A_50 = vector.load %arg2[%get3A, %get3A_49] : memref<512x1024xf32, #tpu.memory_space<vmem>>, vector<512x1024xf32>
    %get3A_51 = arith.constant 0 : index
    %get3A_52 = arith.constant 0 : index
    %get3A_53 = vector.load %arg3[%get3A_51, %get3A_52] : memref<1024x8xf32, #tpu.memory_space<vmem>>, vector<1024x8xf32>
    %dot_general3A = arith.constant dense<0.000000e+00> : vector<512x8xf32>
    %dot_general3A_54 = tpu.matmul %get3A_50, %get3A_53, %dot_general3A {dimension_numbers = #tpu.dot_dimension_numbers<[1], [0], [0], [1], [0, 0, 1, 1], [], []>, transpose_lhs_hint = false} : vector<512x1024xf32>, vector<1024x8xf32>, vector<512x8xf32> -> vector<512x8xf32>
    %reduce_max3A = arith.constant dense<0xFF800000> : vector<512xf32>
    %reduce_max3A_55 = vector.multi_reduction <maximumf>, %dot_general3A_54, %reduce_max3A [1] : vector<512x8xf32> to vector<512xf32>
    %broadcast_in_dim3A = vector.shape_cast %reduce_max3A_55 : vector<512xf32> to vector<512x1xf32>
    %sub3A_56 = vector.broadcast %broadcast_in_dim3A : vector<512x1xf32> to vector<512x8xf32>
    %sub3A_57 = arith.subf %dot_general3A_54, %sub3A_56 : vector<512x8xf32>
    %exp3A = math.exp %sub3A_57 : vector<512x8xf32>
    %reduce_sum3A = arith.constant dense<0.000000e+00> : vector<512xf32>
    %reduce_sum3A_58 = vector.multi_reduction <add>, %exp3A, %reduce_sum3A [1] : vector<512x8xf32> to vector<512xf32>
    %broadcast_in_dim3A_59 = vector.shape_cast %reduce_sum3A_58 : vector<512xf32> to vector<512x1xf32>
    %div3A_60 = vector.broadcast %broadcast_in_dim3A_59 : vector<512x1xf32> to vector<512x8xf32>
    %div3A_61 = arith.divf %exp3A, %div3A_60 : vector<512x8xf32>
    %iota3A = tpu.iota {dimensions = array<i32: 1>} : vector<512x8xi32>
    %reduce_max3A_62 = arith.constant dense<0xFF800000> : vector<512xf32>
    %reduce_max3A_63 = vector.multi_reduction <maximumf>, %div3A_61, %reduce_max3A_62 [1] : vector<512x8xf32> to vector<512xf32>
    %broadcast_in_dim3A_64 = vector.shape_cast %reduce_max3A_63 : vector<512xf32> to vector<512x1xf32>
    %ge3A = vector.broadcast %broadcast_in_dim3A_64 : vector<512x1xf32> to vector<512x8xf32>
    %ge3A_65 = arith.cmpf oge, %div3A_61, %ge3A : vector<512x8xf32>
    %jit3A_66 = arith.constant 8 : i32
    %broadcast_in_dim3A_67 = vector.broadcast %jit3A_66 : i32 to vector<512x8xi32>
    %select_n3A_68 = arith.select %ge3A_65, %iota3A, %broadcast_in_dim3A_67 : vector<512x8xi1>, vector<512x8xi32>
    %reduce_min3A = arith.constant dense<2147483647> : vector<512xi32>
    %reduce_min3A_69 = vector.multi_reduction <minsi>, %select_n3A_68, %reduce_min3A [1] : vector<512x8xi32> to vector<512xi32>
    %broadcast_in_dim3A_70 = vector.shape_cast %reduce_min3A_69 : vector<512xi32> to vector<512x1xi32>
    %eq3A_71 = vector.broadcast %broadcast_in_dim3A_70 : vector<512x1xi32> to vector<512x8xi32>
    %eq3A_72 = arith.cmpi eq, %iota3A, %eq3A_71 : vector<512x8xi32>
    %convert_element_type3A = arith.extui %eq3A_72 : vector<512x8xi1> to vector<512x8xi32>
    %convert_element_type3A_73 = arith.sitofp %convert_element_type3A : vector<512x8xi32> to vector<512x8xf32>
    %broadcast_in_dim3A_74 = arith.constant 0.000000e+00 : f32
    %broadcast_in_dim3A_75 = vector.broadcast %broadcast_in_dim3A_74 : f32 to vector<1x8xf32>
    %get3A_76 = arith.constant 0 : index
    %get3A_77 = arith.constant 0 : index
    %get3A_78 = vector.load %arg11[%get3A_76, %get3A_77] : memref<8x128xf32, #tpu.memory_space<vmem>>, vector<1x8xf32>
    %select_n3A_79 = arith.select %eq3A_30, %broadcast_in_dim3A_75, %get3A_78 : vector<1x8xf32>
    %reduce_sum3A_80 = arith.constant dense<0.000000e+00> : vector<8xf32>
    %reduce_sum3A_81 = vector.multi_reduction <add>, %convert_element_type3A_73, %reduce_sum3A_80 [0] : vector<512x8xf32> to vector<8xf32>
    %broadcast_in_dim3A_82 = vector.shape_cast %reduce_sum3A_81 : vector<8xf32> to vector<1x8xf32>
    %add3A_83 = arith.addf %select_n3A_79, %broadcast_in_dim3A_82 : vector<1x8xf32>
    %swap3A = arith.constant 0 : index
    %swap3A_84 = arith.constant 0 : index
    %swap3A_85 = vector.load %arg11[%swap3A, %swap3A_84] : memref<8x128xf32, #tpu.memory_space<vmem>>, vector<1x8xf32>
    tpu.vector_store %arg11[%swap3A, %swap3A_84], %add3A_83 {strides = array<i32>} : memref<8x128xf32, #tpu.memory_space<vmem>>, vector<1x8xf32>,
    %reduce_sum3A_86 = arith.constant dense<0.000000e+00> : vector<8xf32>
    %reduce_sum3A_87 = vector.multi_reduction <add>, %div3A_61, %reduce_sum3A_86 [0] : vector<512x8xf32> to vector<8xf32>
    %broadcast_in_dim3A_88 = vector.shape_cast %reduce_sum3A_87 : vector<8xf32> to vector<1x8xf32>
    %eq3A_89 = arith.constant 0 : i32
    %eq3A_90 = arith.cmpi eq, %arg0, %eq3A_89 : i32
    %convert_element_type3A_91 = arith.extui %eq3A_90 : i1 to i32
    %cond3A = arith.constant 0 : i32
    %cond3A_92 = arith.cmpi ne, %convert_element_type3A_91, %cond3A : i32
    scf.if %cond3A_92 {
      %eq3A_98 = arith.constant 0 : i32
      %eq3A_99 = arith.cmpi eq, %select_n3A, %eq3A_98 : i32
      %convert_element_type3A_100 = arith.extui %eq3A_99 : i1 to i32
      %cond3A_101 = arith.constant 0 : i32
      %cond3A_102 = arith.cmpi ne, %convert_element_type3A_100, %cond3A_101 : i32
      scf.if %cond3A_102 {
        %get3A_108 = arith.constant 4 : index
        %get3A_109 = arith.constant 0 : index
        %get3A_110 = vector.load %arg11[%get3A_108, %get3A_109] : memref<8x128xf32, #tpu.memory_space<vmem>>, vector<1x8xf32>
        %select_n3A_111 = arith.select %eq3A_30, %broadcast_in_dim3A_75, %get3A_110 : vector<1x8xf32>
        %add3A_112 = arith.addf %select_n3A_111, %broadcast_in_dim3A_88 : vector<1x8xf32>
        %swap3A_113 = arith.constant 4 : index
        %swap3A_114 = arith.constant 0 : index
        %swap3A_115 = vector.load %arg11[%swap3A_113, %swap3A_114] : memref<8x128xf32, #tpu.memory_space<vmem>>, vector<1x8xf32>
        tpu.vector_store %arg11[%swap3A_113, %swap3A_114], %add3A_112 {strides = array<i32>} : memref<8x128xf32, #tpu.memory_space<vmem>>, vector<1x8xf32>,
        %convert_element_type3A_116 = arith.extui %eq3A_48 : i1 to i32
        %cond3A_117 = arith.constant 0 : i32
        %cond3A_118 = arith.cmpi ne, %convert_element_type3A_116, %cond3A_117 : i32
        scf.if %cond3A_118 {
          %min3A = arith.constant 3.200000e+02 : f32
          %min3A_119 = vector.broadcast %min3A : f32 to vector<1x8xf32>
          %min3A_120 = arith.minimumf %add3A_83, %min3A_119 : vector<1x8xf32>
          %swap3A_121 = arith.constant 2 : index
          %swap3A_122 = arith.constant 0 : index
          %swap3A_123 = vector.load %arg11[%swap3A_121, %swap3A_122] : memref<8x128xf32, #tpu.memory_space<vmem>>, vector<1x8xf32>
          tpu.vector_store %arg11[%swap3A_121, %swap3A_122], %min3A_120 {strides = array<i32>} : memref<8x128xf32, #tpu.memory_space<vmem>>, vector<1x8xf32>,
          %swap3A_124 = arith.constant 6 : index
          %swap3A_125 = arith.constant 0 : index
          %swap3A_126 = vector.load %arg11[%swap3A_124, %swap3A_125] : memref<8x128xf32, #tpu.memory_space<vmem>>, vector<1x8xf32>
          tpu.vector_store %arg11[%swap3A_124, %swap3A_125], %add3A_83 {strides = array<i32>} : memref<8x128xf32, #tpu.memory_space<vmem>>, vector<1x8xf32>,
        } else {
        }
      } else {
      }
      %eq3A_103 = arith.constant 1 : i32
      %eq3A_104 = arith.cmpi eq, %select_n3A, %eq3A_103 : i32
      %convert_element_type3A_105 = arith.extui %eq3A_104 : i1 to i32
      %cond3A_106 = arith.constant 0 : i32
      %cond3A_107 = arith.cmpi ne, %convert_element_type3A_105, %cond3A_106 : i32
      scf.if %cond3A_107 {
        %get3A_108 = arith.constant 5 : index
        %get3A_109 = arith.constant 0 : index
        %get3A_110 = vector.load %arg11[%get3A_108, %get3A_109] : memref<8x128xf32, #tpu.memory_space<vmem>>, vector<1x8xf32>
        %select_n3A_111 = arith.select %eq3A_30, %broadcast_in_dim3A_75, %get3A_110 : vector<1x8xf32>
        %add3A_112 = arith.addf %select_n3A_111, %broadcast_in_dim3A_88 : vector<1x8xf32>
        %swap3A_113 = arith.constant 5 : index
        %swap3A_114 = arith.constant 0 : index
        %swap3A_115 = vector.load %arg11[%swap3A_113, %swap3A_114] : memref<8x128xf32, #tpu.memory_space<vmem>>, vector<1x8xf32>
        tpu.vector_store %arg11[%swap3A_113, %swap3A_114], %add3A_112 {strides = array<i32>} : memref<8x128xf32, #tpu.memory_space<vmem>>, vector<1x8xf32>,
        %convert_element_type3A_116 = arith.extui %eq3A_48 : i1 to i32
        %cond3A_117 = arith.constant 0 : i32
        %cond3A_118 = arith.cmpi ne, %convert_element_type3A_116, %cond3A_117 : i32
        scf.if %cond3A_118 {
          %min3A = arith.constant 3.200000e+02 : f32
          %min3A_119 = vector.broadcast %min3A : f32 to vector<1x8xf32>
          %min3A_120 = arith.minimumf %add3A_83, %min3A_119 : vector<1x8xf32>
          %swap3A_121 = arith.constant 3 : index
          %swap3A_122 = arith.constant 0 : index
          %swap3A_123 = vector.load %arg11[%swap3A_121, %swap3A_122] : memref<8x128xf32, #tpu.memory_space<vmem>>, vector<1x8xf32>
          tpu.vector_store %arg11[%swap3A_121, %swap3A_122], %min3A_120 {strides = array<i32>} : memref<8x128xf32, #tpu.memory_space<vmem>>, vector<1x8xf32>,
          %swap3A_124 = arith.constant 7 : index
          %swap3A_125 = arith.constant 0 : index
          %swap3A_126 = vector.load %arg11[%swap3A_124, %swap3A_125] : memref<8x128xf32, #tpu.memory_space<vmem>>, vector<1x8xf32>
          tpu.vector_store %arg11[%swap3A_124, %swap3A_125], %add3A_83 {strides = array<i32>} : memref<8x128xf32, #tpu.memory_space<vmem>>, vector<1x8xf32>,
        } else {
        }
      } else {
      }
    } else {
    }
    %eq3A_93 = arith.constant 1 : i32
    %eq3A_94 = arith.cmpi eq, %arg0, %eq3A_93 : i32
    %convert_element_type3A_95 = arith.extui %eq3A_94 : i1 to i32
    %cond3A_96 = arith.constant 0 : i32
    %cond3A_97 = arith.cmpi ne, %convert_element_type3A_95, %cond3A_96 : i32
    scf.if %cond3A_97 {
      %sub3A_98 = arith.constant 1.000000e+00 : f32
      %sub3A_99 = vector.broadcast %sub3A_98 : f32 to vector<512x8xf32>
      %sub3A_100 = arith.subf %sub3A_99, %convert_element_type3A_73 : vector<512x8xf32>
      %mul3A = arith.mulf %div3A_61, %sub3A_100 : vector<512x8xf32>
      %reduce_max3A_101 = arith.constant dense<0xFF800000> : vector<512xf32>
      %reduce_max3A_102 = vector.multi_reduction <maximumf>, %mul3A, %reduce_max3A_101 [1] : vector<512x8xf32> to vector<512xf32>
      %broadcast_in_dim3A_103 = vector.shape_cast %reduce_max3A_102 : vector<512xf32> to vector<512x1xf32>
      %ge3A_104 = vector.broadcast %broadcast_in_dim3A_103 : vector<512x1xf32> to vector<512x8xf32>
      %ge3A_105 = arith.cmpf oge, %mul3A, %ge3A_104 : vector<512x8xf32>
      %jit3A_106 = arith.constant 8 : i32
      %broadcast_in_dim3A_107 = vector.broadcast %jit3A_106 : i32 to vector<512x8xi32>
      %select_n3A_108 = arith.select %ge3A_105, %iota3A, %broadcast_in_dim3A_107 : vector<512x8xi1>, vector<512x8xi32>
      %reduce_min3A_109 = arith.constant dense<2147483647> : vector<512xi32>
      %reduce_min3A_110 = vector.multi_reduction <minsi>, %select_n3A_108, %reduce_min3A_109 [1] : vector<512x8xi32> to vector<512xi32>
      %broadcast_in_dim3A_111 = vector.shape_cast %reduce_min3A_110 : vector<512xi32> to vector<512x1xi32>
      %eq3A_112 = vector.broadcast %broadcast_in_dim3A_111 : vector<512x1xi32> to vector<512x8xi32>
      %eq3A_113 = arith.cmpi eq, %iota3A, %eq3A_112 : vector<512x8xi32>
      %convert_element_type3A_114 = arith.extui %eq3A_113 : vector<512x8xi1> to vector<512x8xi32>
      %convert_element_type3A_115 = arith.sitofp %convert_element_type3A_114 : vector<512x8xi32> to vector<512x8xf32>
      %add3A_116 = arith.addf %broadcast_in_dim3A_64, %broadcast_in_dim3A_103 : vector<512x1xf32>
      %add3A_117 = arith.constant 9.99999971E-10 : f32
      %add3A_118 = vector.broadcast %add3A_117 : f32 to vector<512x1xf32>
      %add3A_119 = arith.addf %add3A_116, %add3A_118 : vector<512x1xf32>
      %div3A_120 = arith.divf %broadcast_in_dim3A_64, %add3A_119 : vector<512x1xf32>
      %div3A_121 = arith.divf %broadcast_in_dim3A_103, %add3A_119 : vector<512x1xf32>
      %iota3A_122 = tpu.iota {dimensions = array<i32: 0>} : vector<512x512xi32>
      %iota3A_123 = tpu.iota {dimensions = array<i32: 1>} : vector<512x512xi32>
      %lt3A_124 = arith.cmpi slt, %iota3A_123, %iota3A_122 : vector<512x512xi32>
      %convert_element_type3A_125 = arith.extui %lt3A_124 : vector<512x512xi1> to vector<512x512xi32>
      %convert_element_type3A_126 = arith.sitofp %convert_element_type3A_125 : vector<512x512xi32> to vector<512x512xf32>
      %dot_general3A_127 = arith.constant dense<0.000000e+00> : vector<512x8xf32>
      %dot_general3A_128 = tpu.matmul %convert_element_type3A_126, %convert_element_type3A_73, %dot_general3A_127 {dimension_numbers = #tpu.dot_dimension_numbers<[1], [0], [0], [1], [0, 0, 1, 1], [], []>, transpose_lhs_hint = false} : vector<512x512xf32>, vector<512x8xf32>, vector<512x8xf32> -> vector<512x8xf32>
      %add3A_129 = vector.broadcast %select_n3A_79 : vector<1x8xf32> to vector<512x8xf32>
      %add3A_130 = arith.addf %dot_general3A_128, %add3A_129 : vector<512x8xf32>
      %mul3A_131 = arith.mulf %add3A_130, %convert_element_type3A_73 : vector<512x8xf32>
      %reduce_sum3A_132 = arith.constant dense<0.000000e+00> : vector<512xf32>
      %reduce_sum3A_133 = vector.multi_reduction <add>, %mul3A_131, %reduce_sum3A_132 [1] : vector<512x8xf32> to vector<512xf32>
      %broadcast_in_dim3A_134 = vector.shape_cast %reduce_sum3A_133 : vector<512xf32> to vector<512x1xf32>
      %lt3A_135 = arith.constant 3.200000e+02 : f32
      %lt3A_136 = vector.broadcast %lt3A_135 : f32 to vector<512x1xf32>
      %lt3A_137 = arith.cmpf olt, %broadcast_in_dim3A_134, %lt3A_136 : vector<512x1xf32>
      %get3A_138 = arith.constant 1 : index
      %get3A_139 = arith.constant 0 : index
      %get3A_140 = vector.load %arg11[%get3A_138, %get3A_139] : memref<8x128xf32, #tpu.memory_space<vmem>>, vector<1x8xf32>
      %select_n3A_141 = arith.select %eq3A_30, %broadcast_in_dim3A_75, %get3A_140 : vector<1x8xf32>
      %reduce_sum3A_142 = arith.constant dense<0.000000e+00> : vector<8xf32>
      %reduce_sum3A_143 = vector.multi_reduction <add>, %convert_element_type3A_115, %reduce_sum3A_142 [0] : vector<512x8xf32> to vector<8xf32>
      %broadcast_in_dim3A_144 = vector.shape_cast %reduce_sum3A_143 : vector<8xf32> to vector<1x8xf32>
      %add3A_145 = arith.addf %select_n3A_141, %broadcast_in_dim3A_144 : vector<1x8xf32>
      %swap3A_146 = arith.constant 1 : index
      %swap3A_147 = arith.constant 0 : index
      %swap3A_148 = vector.load %arg11[%swap3A_146, %swap3A_147] : memref<8x128xf32, #tpu.memory_space<vmem>>, vector<1x8xf32>
      tpu.vector_store %arg11[%swap3A_146, %swap3A_147], %add3A_145 {strides = array<i32>} : memref<8x128xf32, #tpu.memory_space<vmem>>, vector<1x8xf32>,
      %eq3A_149 = arith.constant 0 : i32
      %eq3A_150 = arith.cmpi eq, %select_n3A, %eq3A_149 : i32
      %get3A_151 = arith.constant 2 : index
      %get3A_152 = arith.constant 0 : index
      %get3A_153 = vector.load %arg11[%get3A_151, %get3A_152] : memref<8x128xf32, #tpu.memory_space<vmem>>, vector<1x8xf32>
      %get3A_154 = arith.constant 3 : index
      %get3A_155 = arith.constant 0 : index
      %get3A_156 = vector.load %arg11[%get3A_154, %get3A_155] : memref<8x128xf32, #tpu.memory_space<vmem>>, vector<1x8xf32>
      %select_n3A_157 = arith.select %eq3A_150, %get3A_153, %get3A_156 : vector<1x8xf32>
      %dot_general3A_158 = arith.constant dense<0.000000e+00> : vector<512x8xf32>
      %dot_general3A_159 = tpu.matmul %convert_element_type3A_126, %convert_element_type3A_115, %dot_general3A_158 {dimension_numbers = #tpu.dot_dimension_numbers<[1], [0], [0], [1], [0, 0, 1, 1], [], []>, transpose_lhs_hint = false} : vector<512x512xf32>, vector<512x8xf32>, vector<512x8xf32> -> vector<512x8xf32>
      %add3A_160 = vector.broadcast %select_n3A_141 : vector<1x8xf32> to vector<512x8xf32>
      %add3A_161 = arith.addf %dot_general3A_159, %add3A_160 : vector<512x8xf32>
      %add3A_162 = vector.broadcast %select_n3A_157 : vector<1x8xf32> to vector<512x8xf32>
      %add3A_163 = arith.addf %add3A_161, %add3A_162 : vector<512x8xf32>
      %mul3A_164 = arith.mulf %add3A_163, %convert_element_type3A_115 : vector<512x8xf32>
      %reduce_sum3A_165 = arith.constant dense<0.000000e+00> : vector<512xf32>
      %reduce_sum3A_166 = vector.multi_reduction <add>, %mul3A_164, %reduce_sum3A_165 [1] : vector<512x8xf32> to vector<512xf32>
      %broadcast_in_dim3A_167 = vector.shape_cast %reduce_sum3A_166 : vector<512xf32> to vector<512x1xf32>
      %lt3A_168 = arith.constant 3.200000e+02 : f32
      %lt3A_169 = vector.broadcast %lt3A_168 : f32 to vector<512x1xf32>
      %lt3A_170 = arith.cmpf olt, %broadcast_in_dim3A_167, %lt3A_169 : vector<512x1xf32>
      %jit3A_171 = arith.constant 0.000000e+00 : f32
      %broadcast_in_dim3A_172 = vector.broadcast %jit3A_171 : f32 to vector<512x1xf32>
      %select_n3A_173 = arith.select %lt3A_137, %div3A_120, %broadcast_in_dim3A_172 : vector<512x1xi1>, vector<512x1xf32>
      %jit3A_174 = arith.constant 0.000000e+00 : f32
      %broadcast_in_dim3A_175 = vector.broadcast %jit3A_174 : f32 to vector<512x1xf32>
      %select_n3A_176 = arith.select %lt3A_170, %div3A_121, %broadcast_in_dim3A_175 : vector<512x1xi1>, vector<512x1xf32>
      %mul3A_177 = arith.constant 640 : i32
      %mul3A_178 = vector.broadcast %mul3A_177 : i32 to vector<512x1xi32>
      %mul3A_179 = arith.muli %broadcast_in_dim3A_70, %mul3A_178 : vector<512x1xi32>
      %mul3A_180 = arith.constant 320 : i32
      %mul3A_181 = arith.muli %select_n3A, %mul3A_180 : i32
      %add3A_182 = vector.broadcast %mul3A_181 : i32 to vector<512x1xi32>
      %add3A_183 = arith.addi %mul3A_179, %add3A_182 : vector<512x1xi32>
      %convert_element_type3A_184 = arith.fptosi %broadcast_in_dim3A_134 : vector<512x1xf32> to vector<512x1xi32>
      %add3A_185 = arith.addi %add3A_183, %convert_element_type3A_184 : vector<512x1xi32>
      %mul3A_186 = arith.constant 640 : i32
      %mul3A_187 = vector.broadcast %mul3A_186 : i32 to vector<512x1xi32>
      %mul3A_188 = arith.muli %broadcast_in_dim3A_111, %mul3A_187 : vector<512x1xi32>
      %mul3A_189 = arith.constant 320 : i32
      %mul3A_190 = arith.muli %select_n3A, %mul3A_189 : i32
      %add3A_191 = vector.broadcast %mul3A_190 : i32 to vector<512x1xi32>
      %add3A_192 = arith.addi %mul3A_188, %add3A_191 : vector<512x1xi32>
      %convert_element_type3A_193 = arith.fptosi %broadcast_in_dim3A_167 : vector<512x1xf32> to vector<512x1xi32>
      %add3A_194 = arith.addi %add3A_192, %convert_element_type3A_193 : vector<512x1xi32>
      %jit3A_195 = arith.constant 5120 : i32
      %broadcast_in_dim3A_196 = vector.broadcast %jit3A_195 : i32 to vector<512x1xi32>
      %select_n3A_197 = arith.select %lt3A_137, %add3A_185, %broadcast_in_dim3A_196 : vector<512x1xi1>, vector<512x1xi32>
      %broadcast_in_dim3A_198 = vector.shape_cast %select_n3A_197 : vector<512x1xi32> to vector<512x1xi32>
      %broadcast_in_dim3A_199 = vector.broadcast %broadcast_in_dim3A_198 : vector<512x1xi32> to vector<512x8xi32>
      %swap3A_200 = arith.constant 0 : index
      %swap3A_201 = arith.constant 0 : index
      %swap3A_202 = vector.load %arg4[%swap3A_200, %swap3A_201] : memref<512x8xi32, #tpu.memory_space<vmem>>, vector<512x8xi32>
      tpu.vector_store %arg4[%swap3A_200, %swap3A_201], %broadcast_in_dim3A_199 {strides = array<i32>} : memref<512x8xi32, #tpu.memory_space<vmem>>, vector<512x8xi32>,
      %jit3A_203 = arith.constant 5120 : i32
      %broadcast_in_dim3A_204 = vector.broadcast %jit3A_203 : i32 to vector<512x1xi32>
      %select_n3A_205 = arith.select %lt3A_170, %add3A_194, %broadcast_in_dim3A_204 : vector<512x1xi1>, vector<512x1xi32>
      %broadcast_in_dim3A_206 = vector.shape_cast %select_n3A_205 : vector<512x1xi32> to vector<512x1xi32>
      %broadcast_in_dim3A_207 = vector.broadcast %broadcast_in_dim3A_206 : vector<512x1xi32> to vector<512x8xi32>
      %swap3A_208 = arith.constant 0 : index
      %swap3A_209 = arith.constant 0 : index
      %swap3A_210 = vector.load %arg7[%swap3A_208, %swap3A_209] : memref<512x8xi32, #tpu.memory_space<vmem>>, vector<512x8xi32>
      tpu.vector_store %arg7[%swap3A_208, %swap3A_209], %broadcast_in_dim3A_207 {strides = array<i32>} : memref<512x8xi32, #tpu.memory_space<vmem>>, vector<512x8xi32>,
      %jit3A_211 = arith.constant 0 : i32
      %broadcast_in_dim3A_212 = vector.broadcast %jit3A_211 : i32 to vector<512x1xi32>
      %select_n3A_213 = arith.select %lt3A_137, %add3A_185, %broadcast_in_dim3A_212 : vector<512x1xi1>, vector<512x1xi32>
      %broadcast_in_dim3A_214 = vector.shape_cast %select_n3A_213 : vector<512x1xi32> to vector<512x1xi32>
      %broadcast_in_dim3A_215 = vector.broadcast %broadcast_in_dim3A_214 : vector<512x1xi32> to vector<512x8xi32>
      %swap3A_216 = arith.constant 0 : index
      %swap3A_217 = arith.constant 0 : index
      %swap3A_218 = vector.load %arg5[%swap3A_216, %swap3A_217] : memref<512x8xi32, #tpu.memory_space<vmem>>, vector<512x8xi32>
      tpu.vector_store %arg5[%swap3A_216, %swap3A_217], %broadcast_in_dim3A_215 {strides = array<i32>} : memref<512x8xi32, #tpu.memory_space<vmem>>, vector<512x8xi32>,
      %jit3A_219 = arith.constant 0 : i32
      %broadcast_in_dim3A_220 = vector.broadcast %jit3A_219 : i32 to vector<512x1xi32>
      %select_n3A_221 = arith.select %lt3A_170, %add3A_194, %broadcast_in_dim3A_220 : vector<512x1xi1>, vector<512x1xi32>
      %broadcast_in_dim3A_222 = vector.shape_cast %select_n3A_221 : vector<512x1xi32> to vector<512x1xi32>
      %broadcast_in_dim3A_223 = vector.broadcast %broadcast_in_dim3A_222 : vector<512x1xi32> to vector<512x8xi32>
      %swap3A_224 = arith.constant 0 : index
      %swap3A_225 = arith.constant 0 : index
      %swap3A_226 = vector.load %arg8[%swap3A_224, %swap3A_225] : memref<512x8xi32, #tpu.memory_space<vmem>>, vector<512x8xi32>
      tpu.vector_store %arg8[%swap3A_224, %swap3A_225], %broadcast_in_dim3A_223 {strides = array<i32>} : memref<512x8xi32, #tpu.memory_space<vmem>>, vector<512x8xi32>,
      %broadcast_in_dim3A_227 = vector.shape_cast %select_n3A_173 : vector<512x1xf32> to vector<512x1xf32>
      %broadcast_in_dim3A_228 = vector.broadcast %broadcast_in_dim3A_227 : vector<512x1xf32> to vector<512x8xf32>
      %swap3A_229 = arith.constant 0 : index
      %swap3A_230 = arith.constant 0 : index
      %swap3A_231 = vector.load %arg6[%swap3A_229, %swap3A_230] : memref<512x8xf32, #tpu.memory_space<vmem>>, vector<512x8xf32>
      tpu.vector_store %arg6[%swap3A_229, %swap3A_230], %broadcast_in_dim3A_228 {strides = array<i32>} : memref<512x8xf32, #tpu.memory_space<vmem>>, vector<512x8xf32>,
      %broadcast_in_dim3A_232 = vector.shape_cast %select_n3A_176 : vector<512x1xf32> to vector<512x1xf32>
      %broadcast_in_dim3A_233 = vector.broadcast %broadcast_in_dim3A_232 : vector<512x1xf32> to vector<512x8xf32>
      %swap3A_234 = arith.constant 0 : index
      %swap3A_235 = arith.constant 0 : index
      %swap3A_236 = vector.load %arg9[%swap3A_234, %swap3A_235] : memref<512x8xf32, #tpu.memory_space<vmem>>, vector<512x8xf32>
      tpu.vector_store %arg9[%swap3A_234, %swap3A_235], %broadcast_in_dim3A_233 {strides = array<i32>} : memref<512x8xf32, #tpu.memory_space<vmem>>, vector<512x8xf32>,
      %eq3A_237 = arith.constant 1 : i32
      %eq3A_238 = arith.cmpi eq, %select_n3A, %eq3A_237 : i32
      %and3A_239 = arith.andi %eq3A_238, %eq3A_48 : i1
      %convert_element_type3A_240 = arith.extui %and3A_239 : i1 to i32
      %cond3A_241 = arith.constant 0 : i32
      %cond3A_242 = arith.cmpi ne, %convert_element_type3A_240, %cond3A_241 : i32
      scf.if %cond3A_242 {
        %get3A_243 = arith.constant 4 : index
        %get3A_244 = arith.constant 0 : index
        %get3A_245 = vector.load %arg11[%get3A_243, %get3A_244] : memref<8x128xf32, #tpu.memory_space<vmem>>, vector<1x8xf32>
        %get3A_246 = arith.constant 6 : index
        %get3A_247 = arith.constant 0 : index
        %get3A_248 = vector.load %arg11[%get3A_246, %get3A_247] : memref<8x128xf32, #tpu.memory_space<vmem>>, vector<1x8xf32>
        %mul3A_249 = arith.mulf %get3A_245, %get3A_248 : vector<1x8xf32>
        %get3A_250 = arith.constant 5 : index
        %get3A_251 = arith.constant 0 : index
        %get3A_252 = vector.load %arg11[%get3A_250, %get3A_251] : memref<8x128xf32, #tpu.memory_space<vmem>>, vector<1x8xf32>
        %get3A_253 = arith.constant 7 : index
        %get3A_254 = arith.constant 0 : index
        %get3A_255 = vector.load %arg11[%get3A_253, %get3A_254] : memref<8x128xf32, #tpu.memory_space<vmem>>, vector<1x8xf32>
        %mul3A_256 = arith.mulf %get3A_252, %get3A_255 : vector<1x8xf32>
        %add3A_257 = arith.addf %mul3A_249, %mul3A_256 : vector<1x8xf32>
        %reduce_sum3A_258 = vector.shape_cast %add3A_257 : vector<1x8xf32> to vector<1x1x8xf32>
        %reduce_sum3A_259 = arith.constant dense<0.000000e+00> : vector<1xf32>
        %reduce_sum3A_260 = vector.multi_reduction <add>, %reduce_sum3A_258, %reduce_sum3A_259 [1, 2] : vector<1x1x8xf32> to vector<1xf32>
        %reduce_sum3A_261 = vector.shape_cast %reduce_sum3A_260 : vector<1xf32> to vector<1x1x1xf32>
        %reduce_sum3A_262 = vector.extract %reduce_sum3A_261[0, 0, 0] : f32 from vector<1x1x1xf32>
        %broadcast_in_dim3A_263 = vector.broadcast %reduce_sum3A_262 : f32 to vector<1x1xf32>
        %mul3A_264 = arith.constant 9.53674295E-9 : f32
        %mul3A_265 = vector.broadcast %mul3A_264 : f32 to vector<1x1xf32>
        %mul3A_266 = arith.mulf %broadcast_in_dim3A_263, %mul3A_265 : vector<1x1xf32>
        %swap3A_267 = arith.constant 0 : index
        %swap3A_268 = arith.constant 0 : index
        %swap3A_269 = vector.load %arg10[%swap3A_267, %swap3A_268] : memref<1x1xf32, #tpu.memory_space<vmem>>, vector<1x1xf32>
        tpu.vector_store %arg10[%swap3A_267, %swap3A_268], %mul3A_266 {strides = array<i32>} : memref<1x1xf32, #tpu.memory_space<vmem>>, vector<1x1xf32>,
      } else {
      }
    } else {
    }
    return
  }
  func.func @transform_0(%arg0: i32, %arg1: i32) -> (i32, i32) {
    %c0_i32 = arith.constant 0 : i32
    %c0_i32_0 = arith.constant 0 : i32
    return %arg1, %c0_i32 : i32, i32
  }
  func.func @transform_1(%arg0: i32, %arg1: i32) -> (i32, i32) {
    %c0_i32 = arith.constant 0 : i32
    %c0_i32_0 = arith.constant 0 : i32
    %c0_i32_1 = arith.constant 0 : i32
    return %c0_i32, %c0_i32_0 : i32, i32
  }
  func.func @transform_2(%arg0: i32, %arg1: i32) -> (i32, i32) {
    %c0_i32 = arith.constant 0 : i32
    %c0_i32_0 = arith.constant 0 : i32
    return %arg1, %c0_i32 : i32, i32
  }
  func.func @transform_3(%arg0: i32, %arg1: i32) -> (i32, i32) {
    %c0_i32 = arith.constant 0 : i32
    %c0_i32_0 = arith.constant 0 : i32
    return %arg1, %c0_i32 : i32, i32
  }
  func.func @transform_4(%arg0: i32, %arg1: i32) -> (i32, i32) {
    %c0_i32 = arith.constant 0 : i32
    %c0_i32_0 = arith.constant 0 : i32
    return %arg1, %c0_i32 : i32, i32
  }
  func.func @transform_5(%arg0: i32, %arg1: i32) -> (i32, i32) {
    %c0_i32 = arith.constant 0 : i32
    %c0_i32_0 = arith.constant 0 : i32
    return %arg1, %c0_i32 : i32, i32
  }
  func.func @transform_6(%arg0: i32, %arg1: i32) -> (i32, i32) {
    %c0_i32 = arith.constant 0 : i32
    %c0_i32_0 = arith.constant 0 : i32
    return %arg1, %c0_i32 : i32, i32
  }
  func.func @transform_7(%arg0: i32, %arg1: i32) -> (i32, i32) {
    %c0_i32 = arith.constant 0 : i32
    %c0_i32_0 = arith.constant 0 : i32
    return %arg1, %c0_i32 : i32, i32
  }
  func.func @transform_8(%arg0: i32, %arg1: i32) -> (i32, i32) {
    %c0_i32 = arith.constant 0 : i32
    %c0_i32_0 = arith.constant 0 : i32
    %c0_i32_1 = arith.constant 0 : i32
    return %c0_i32, %c0_i32_0 : i32, i32
  }
}

module attributes {stable_mosaic.version = 14 : i64} {
  func.func @_ffn_body(%arg0: i32, %arg1: i32, %arg2: memref<640x1024xf32, #tpu.memory_space<vmem>>, %arg3: memref<1x1024x512xf32, #tpu.memory_space<vmem>>, %arg4: memref<512xf32, #tpu.memory_space<vmem>>, %arg5: memref<1x512x1024xf32, #tpu.memory_space<vmem>>, %arg6: memref<1024xf32, #tpu.memory_space<vmem>>, %arg7: memref<640x1024xf32, #tpu.memory_space<vmem>>) attributes {dimension_semantics = [#tpu.dimension_semantics<parallel>, #tpu.dimension_semantics<arbitrary>], iteration_bounds = array<i64: 8, 8>, scalar_prefetch = 0 : i64, scratch_operands = 0 : i64, tpu.core_type = #tpu.core_type<tc>, window_params = [{transform_indices = @transform_0, window_bounds = array<i64: 640, 1024>}, {transform_indices = @transform_1, window_bounds = array<i64: 1, 1024, 512>}, {transform_indices = @transform_2, window_bounds = array<i64: 512>}, {transform_indices = @transform_3, window_bounds = array<i64: 1, 512, 1024>}, {pipeline_mode = #tpu.pipeline_mode<synchronous>, transform_indices = @transform_4, window_bounds = array<i64: 1024>}, {transform_indices = @transform_5, window_bounds = array<i64: 640, 1024>}]} {
    %get3A = arith.constant 0 : index
    %get3A_0 = arith.constant 0 : index
    %get3A_1 = vector.load %arg2[%get3A, %get3A_0] : memref<640x1024xf32, #tpu.memory_space<vmem>>, vector<640x1024xf32>
    %convert_element_type3A = arith.truncf %get3A_1 : vector<640x1024xf32> to vector<640x1024xbf16>
    %get3A_2 = arith.constant 0 : index
    %get3A_3 = arith.constant 0 : index
    %get3A_4 = arith.constant 0 : index
    %get3A_5 = vector.load %arg3[%get3A_2, %get3A_3, %get3A_4] : memref<1x1024x512xf32, #tpu.memory_space<vmem>>, vector<1x1024x512xf32>
    %get3A_6 = vector.shape_cast %get3A_5 : vector<1x1024x512xf32> to vector<1024x512xf32>
    %convert_element_type3A_7 = arith.truncf %get3A_6 : vector<1024x512xf32> to vector<1024x512xbf16>
    %dot_general3A = arith.constant dense<0.000000e+00> : vector<640x512xf32>
    %dot_general3A_8 = tpu.matmul %convert_element_type3A, %convert_element_type3A_7, %dot_general3A {dimension_numbers = #tpu.dot_dimension_numbers<[1], [0], [0], [1], [0, 0, 1, 1], [], []>, transpose_lhs_hint = false} : vector<640x1024xbf16>, vector<1024x512xbf16>, vector<640x512xf32> -> vector<640x512xf32>
    %get3A_9 = arith.constant 0 : index
    %get3A_10 = vector.load %arg4[%get3A_9] : memref<512xf32, #tpu.memory_space<vmem>>, vector<512xf32>
    %broadcast_in_dim3A = vector.shape_cast %get3A_10 : vector<512xf32> to vector<1x512xf32>
    %add3A = vector.broadcast %broadcast_in_dim3A : vector<1x512xf32> to vector<640x512xf32>
    %add3A_11 = arith.addf %dot_general3A_8, %add3A : vector<640x512xf32>
    %mul3A = arith.constant 5.000000e-01 : f32
    %mul3A_12 = vector.broadcast %mul3A : f32 to vector<640x512xf32>
    %mul3A_13 = arith.mulf %mul3A_12, %add3A_11 : vector<640x512xf32>
    %mul3A_14 = arith.constant 0.707106769 : f32
    %mul3A_15 = vector.broadcast %mul3A_14 : f32 to vector<640x512xf32>
    %mul3A_16 = arith.mulf %add3A_11, %mul3A_15 : vector<640x512xf32>
    %erf3A = math.erf %mul3A_16 : vector<640x512xf32>
    %add3A_17 = arith.constant 1.000000e+00 : f32
    %add3A_18 = vector.broadcast %add3A_17 : f32 to vector<640x512xf32>
    %add3A_19 = arith.addf %add3A_18, %erf3A : vector<640x512xf32>
    %mul3A_20 = arith.mulf %mul3A_13, %add3A_19 : vector<640x512xf32>
    %convert_element_type3A_21 = arith.truncf %mul3A_20 : vector<640x512xf32> to vector<640x512xbf16>
    %get3A_22 = arith.constant 0 : index
    %get3A_23 = arith.constant 0 : index
    %get3A_24 = arith.constant 0 : index
    %get3A_25 = vector.load %arg5[%get3A_22, %get3A_23, %get3A_24] : memref<1x512x1024xf32, #tpu.memory_space<vmem>>, vector<1x512x1024xf32>
    %get3A_26 = vector.shape_cast %get3A_25 : vector<1x512x1024xf32> to vector<512x1024xf32>
    %convert_element_type3A_27 = arith.truncf %get3A_26 : vector<512x1024xf32> to vector<512x1024xbf16>
    %dot_general3A_28 = arith.constant dense<0.000000e+00> : vector<640x1024xf32>
    %dot_general3A_29 = tpu.matmul %convert_element_type3A_21, %convert_element_type3A_27, %dot_general3A_28 {dimension_numbers = #tpu.dot_dimension_numbers<[1], [0], [0], [1], [0, 0, 1, 1], [], []>, transpose_lhs_hint = false} : vector<640x512xbf16>, vector<512x1024xbf16>, vector<640x1024xf32> -> vector<640x1024xf32>
    %eq3A = arith.constant 0 : i32
    %eq3A_30 = arith.cmpi eq, %arg1, %eq3A : i32
    %convert_element_type3A_31 = arith.extui %eq3A_30 : i1 to i32
    %cond3A = arith.constant 0 : i32
    %cond3A_32 = arith.cmpi ne, %convert_element_type3A_31, %cond3A : i32
    scf.if %cond3A_32 {
      %get3A_37 = arith.constant 0 : index
      %get3A_38 = vector.load %arg6[%get3A_37] : memref<1024xf32, #tpu.memory_space<vmem>>, vector<1024xf32>
      %broadcast_in_dim3A_39 = vector.shape_cast %get3A_38 : vector<1024xf32> to vector<1x1024xf32>
      %add3A_40 = vector.broadcast %broadcast_in_dim3A_39 : vector<1x1024xf32> to vector<640x1024xf32>
      %add3A_41 = arith.addf %dot_general3A_29, %add3A_40 : vector<640x1024xf32>
      %swap3A = arith.constant 0 : index
      %swap3A_42 = arith.constant 0 : index
      %swap3A_43 = vector.load %arg7[%swap3A, %swap3A_42] : memref<640x1024xf32, #tpu.memory_space<vmem>>, vector<640x1024xf32>
      tpu.vector_store %arg7[%swap3A, %swap3A_42], %add3A_41 {strides = array<i32>} : memref<640x1024xf32, #tpu.memory_space<vmem>>, vector<640x1024xf32>,
    } else {
    }
    %gt3A = arith.constant 0 : i32
    %gt3A_33 = arith.cmpi sgt, %arg1, %gt3A : i32
    %convert_element_type3A_34 = arith.extui %gt3A_33 : i1 to i32
    %cond3A_35 = arith.constant 0 : i32
    %cond3A_36 = arith.cmpi ne, %convert_element_type3A_34, %cond3A_35 : i32
    scf.if %cond3A_36 {
      %get3A_37 = arith.constant 0 : index
      %get3A_38 = arith.constant 0 : index
      %get3A_39 = vector.load %arg7[%get3A_37, %get3A_38] : memref<640x1024xf32, #tpu.memory_space<vmem>>, vector<640x1024xf32>
      %add3A_40 = arith.addf %get3A_39, %dot_general3A_29 : vector<640x1024xf32>
      %swap3A = arith.constant 0 : index
      %swap3A_41 = arith.constant 0 : index
      %swap3A_42 = vector.load %arg7[%swap3A, %swap3A_41] : memref<640x1024xf32, #tpu.memory_space<vmem>>, vector<640x1024xf32>
      tpu.vector_store %arg7[%swap3A, %swap3A_41], %add3A_40 {strides = array<i32>} : memref<640x1024xf32, #tpu.memory_space<vmem>>, vector<640x1024xf32>,
    } else {
    }
    return
  }
  func.func @transform_0(%arg0: i32, %arg1: i32) -> (i32, i32) {
    %c0_i32 = arith.constant 0 : i32
    %c0_i32_0 = arith.constant 0 : i32
    return %arg0, %c0_i32 : i32, i32
  }
  func.func @transform_1(%arg0: i32, %arg1: i32) -> (i32, i32, i32) {
    %c0_i32 = arith.constant 0 : i32
    %c0_i32_0 = arith.constant 0 : i32
    return %arg0, %c0_i32, %arg1 : i32, i32, i32
  }
  func.func @transform_2(%arg0: i32, %arg1: i32) -> i32 {
    %c0_i32 = arith.constant 0 : i32
    return %arg1 : i32
  }
  func.func @transform_3(%arg0: i32, %arg1: i32) -> (i32, i32, i32) {
    %c0_i32 = arith.constant 0 : i32
    %c0_i32_0 = arith.constant 0 : i32
    return %arg0, %arg1, %c0_i32 : i32, i32, i32
  }
  func.func @transform_4(%arg0: i32, %arg1: i32) -> i32 {
    %c0_i32 = arith.constant 0 : i32
    %c0_i32_0 = arith.constant 0 : i32
    return %c0_i32 : i32
  }
  func.func @transform_5(%arg0: i32, %arg1: i32) -> (i32, i32) {
    %c0_i32 = arith.constant 0 : i32
    %c0_i32_0 = arith.constant 0 : i32
    return %arg0, %c0_i32 : i32, i32
  }
}

module attributes {stable_mosaic.version = 14 : i64} {
  func.func @_wadd_body(%arg0: i32, %arg1: memref<512x1024xf32, #tpu.memory_space<vmem>>, %arg2: memref<512x1024xf32, #tpu.memory_space<vmem>>, %arg3: memref<512x8xf32, #tpu.memory_space<vmem>>, %arg4: memref<512x8xf32, #tpu.memory_space<vmem>>, %arg5: memref<512x1024xf32, #tpu.memory_space<vmem>>) attributes {dimension_semantics = [#tpu.dimension_semantics<parallel>], iteration_bounds = array<i64: 8>, scalar_prefetch = 0 : i64, scratch_operands = 0 : i64, tpu.core_type = #tpu.core_type<tc>, window_params = [{transform_indices = @transform_0, window_bounds = array<i64: 512, 1024>}, {transform_indices = @transform_1, window_bounds = array<i64: 512, 1024>}, {transform_indices = @transform_2, window_bounds = array<i64: 512, 8>}, {transform_indices = @transform_3, window_bounds = array<i64: 512, 8>}, {transform_indices = @transform_4, window_bounds = array<i64: 512, 1024>}]} {
    %get3A = arith.constant 0 : index
    %get3A_0 = arith.constant 0 : index
    %get3A_1 = vector.load %arg3[%get3A, %get3A_0] : memref<512x8xf32, #tpu.memory_space<vmem>>, vector<512x1xf32>
    %get3A_2 = arith.constant 0 : index
    %get3A_3 = arith.constant 0 : index
    %get3A_4 = vector.load %arg4[%get3A_2, %get3A_3] : memref<512x8xf32, #tpu.memory_space<vmem>>, vector<512x1xf32>
    %get3A_5 = arith.constant 0 : index
    %get3A_6 = arith.constant 0 : index
    %get3A_7 = vector.load %arg1[%get3A_5, %get3A_6] : memref<512x1024xf32, #tpu.memory_space<vmem>>, vector<512x1024xf32>
    %mul3A = vector.broadcast %get3A_1 : vector<512x1xf32> to vector<512x1024xf32>
    %mul3A_8 = arith.mulf %mul3A, %get3A_7 : vector<512x1024xf32>
    %get3A_9 = arith.constant 0 : index
    %get3A_10 = arith.constant 0 : index
    %get3A_11 = vector.load %arg2[%get3A_9, %get3A_10] : memref<512x1024xf32, #tpu.memory_space<vmem>>, vector<512x1024xf32>
    %mul3A_12 = vector.broadcast %get3A_4 : vector<512x1xf32> to vector<512x1024xf32>
    %mul3A_13 = arith.mulf %mul3A_12, %get3A_11 : vector<512x1024xf32>
    %add3A = arith.addf %mul3A_8, %mul3A_13 : vector<512x1024xf32>
    %swap3A = arith.constant 0 : index
    %swap3A_14 = arith.constant 0 : index
    %swap3A_15 = vector.load %arg5[%swap3A, %swap3A_14] : memref<512x1024xf32, #tpu.memory_space<vmem>>, vector<512x1024xf32>
    tpu.vector_store %arg5[%swap3A, %swap3A_14], %add3A {strides = array<i32>} : memref<512x1024xf32, #tpu.memory_space<vmem>>, vector<512x1024xf32>,
    return
  }
  func.func @transform_0(%arg0: i32) -> (i32, i32) {
    %c0_i32 = arith.constant 0 : i32
    %c0_i32_0 = arith.constant 0 : i32
    return %arg0, %c0_i32 : i32, i32
  }
  func.func @transform_1(%arg0: i32) -> (i32, i32) {
    %c0_i32 = arith.constant 0 : i32
    %c0_i32_0 = arith.constant 0 : i32
    return %arg0, %c0_i32 : i32, i32
  }
  func.func @transform_2(%arg0: i32) -> (i32, i32) {
    %c0_i32 = arith.constant 0 : i32
    %c0_i32_0 = arith.constant 0 : i32
    return %arg0, %c0_i32 : i32, i32
  }
  func.func @transform_3(%arg0: i32) -> (i32, i32) {
    %c0_i32 = arith.constant 0 : i32
    %c0_i32_0 = arith.constant 0 : i32
    return %arg0, %c0_i32 : i32, i32
  }
  func.func @transform_4(%arg0: i32) -> (i32, i32) {
    %c0_i32 = arith.constant 0 : i32
    %c0_i32_0 = arith.constant 0 : i32
    return %arg0, %c0_i32 : i32, i32
  }
}

</mosaic_0001>

<sc_bundles>
// kernel: kernel.11.cloned.1.call-start
scs
__scs_entry_jumppad:
0x0: {  	(pc) =	sbr.rel $0x88, $3  }
0x1: {  	(tag) =	ssettag $0x0;
	lr =	simm.s32 $0x1  }
0x2: {  	[smem:$0x3F9B] =	sst lr;
	_ =	strace $0xD0000000  }
0x3: {  	_ = 	snop  }
0x4: {  	_ = 	snop  }
0x5: {  	_ = 	snop  }
0x6: {  	_ = 	snop  }
0x7: {  	_ = 	snop  }
__scs_overlays_trampoline_lowered:
0x8: {  	[smem:$0x3FAA] =	sst s0  }
0x9: {  	[smem:$0x3FAB] =	sst s1  }
0xa: {  	[smem:$0x3FAC] =	sst s2  }
0xb: {  	[smem:$0x3FAD] =	sst s3  }
0xc: {  	[smem:$0x3FAE] =	sst s4  }
0xd: {  	[smem:$0x3FAF] =	sst s5  }
0xe: {  	[smem:$0x3FB0] =	sst s6  }
0xf: {  	[smem:$0x3FB1] =	sst s7  }
0x10: {  	[smem:$0x3FB2] =	sst s8  }
0x11: {  	[smem:$0x3FB3] =	sst s9;
	s0 =	simm.s32 @!p0 $0x0  }
0x12: {  	s1 =	sld [smem:$0x3F99];
	s0 =	simm.s32 @p0 $0x1  }
0x13: {  	[smem:$0x3FB4] =	sst s0;
	s0 =	simm.s32 @!p1 $0x0  }
0x14: {  	s2 =	sld [smem:$0x3F98];
	s0 =	simm.s32 @p1 $0x1  }
0x15: {  	[smem:$0x3FB5] =	sst s0;
	s0 =	simm.s32 @!p2 $0x0  }
0x16: {  	s3 =	sld [smem:$0x3FDB];
	s0 =	simm.s32 @p2 $0x1  }
0x17: {  	s4 =	simm.s32 $0x1BF5;
	[smem:$0x3FB7] =	sst s0  }
0x18: {  	s0 =	sld [smem:$0x3F9A];
	_ =	swait.ge [sflag:s4], $0x0  }
0x19: {  	s7 =	sld [smem:$0x3F9B]  }
0x1a: {  	s8 =	sadd.s32 $0xFFFFE003, lr  }
0x1b: {  	s9 =	sadd.s32 $0xFFFFFEF7, lr;
	s5 =	simm.s32 $0xFFFFFFFF;
	p2 =	slt.u32 s8, $0xFFFFF086  }
0x1c: {  	p1 =	slt.u32 s9, $0xF7A;
	s5 =	simm.s32 @!p2 $0x0  }
0x1d: {  	s5 =	simm.s32 @p1 $0x1;
	p0 =	seq.s32 s7, s2  }
0x1e: {  	s7 =	smul.u32 @!p0 $0xF7A, s2;
	p2 =	seq.s32 @!p0 s5, $0x0  }
0x1f: {  	s9 =	smul.u32 $0xF7A, s1;
	s8 =	simm.s32 @!p0 $0x1BF5;
	p2 =	por !p2, p0  }
0x20: {  	[sflag:s8] =	ssyncset.s32 @!p0 $0xFFFFF086;
	s6 =	sadd.s32 @!p0 s3, s7;
	s7 =	simm.s32 @!p0 $0x108  }
0x21: {  	s3 =	sadd.s32 s3, s9;
	s6 =	sadd.s32 @!p0 $0x88, s6;
	s7 =	simm.s32 @p2 $0x1082  }
0x22: {  	[simem:s7], [sflag:s8] =	dma.local @!p0 [hbm:s6], $0xF7A  }
0x23: {  	s9 =	sor.u32 $0xD0000000, s2;
	s6 =	simm.s32 $0x108;
	_ =	swait.ge @!p0 [sflag:s8], $0x0  }
0x24: {  	s3 =	sadd.s32 $0x88, s3;
	s6 =	simm.s32 @!p1 $0x1082;
	[sflag:s4] =	ssyncset.s32 $0xFFFFF086  }
0x25: {  	[simem:s6], [sflag:s4] =	dma.local [hbm:s3], $0xF7A  }
0x26: {  	[smem:$0x3F9B] =	sst s1;
	(tag) =	ssettag s2;
	_ =	strace s9  }
0x27: {  	s1 =	sld [smem:$0x3FAB]  }
0x28: {  	s2 =	sld [smem:$0x3FAC]  }
0x29: {  	s4 =	sld [smem:$0x3FAE]  }
0x2a: {  	p0 =	seq.s32 s5, $0x0;
	s5 =	sld [smem:$0x3FAF]  }
0x2b: {  	s6 =	sld [smem:$0x3FB0]  }
0x2c: {  	s7 =	sld [smem:$0x3FB1]  }
0x2d: {  	s3 =	simm.s32 $0x108;
	s8 =	sld [smem:$0x3FB2]  }
0x2e: {  	s3 =	simm.s32 @!p0 $0x1082;
	s9 =	sld [smem:$0x3FB3]  }
0x2f: {  	lr =	sadd.s32 s0, s3;
	s0 =	sld [smem:$0x3FAA]  }
0x30: {  	s3 =	sld [smem:$0x3FAD]  }
0x31: {  	[smem:$0x3FB6] =	sst s10  }
0x32: {  	s10 =	sld [smem:$0x3FB4];
	_ =	sdelay $0x3  }
0x33: {  	p0 =	seq.s32 s10, $0x1;
	s10 =	sld [smem:$0x3FB6];
	_ =	sdelay $0x3  }
0x34: {  	[smem:$0x3FB6] =	sst s10  }
0x35: {  	s10 =	sld [smem:$0x3FB5];
	_ =	sdelay $0x3  }
0x36: {  	p1 =	seq.s32 s10, $0x1;
	s10 =	sld [smem:$0x3FB6];
	_ =	sdelay $0x3  }
0x37: {  	[smem:$0x3FB6] =	sst s10  }
0x38: {  	s10 =	sld [smem:$0x3FB7]  }
0x39: {  	_ = 	snop;
	(pc) =	sbr.ind lr, $3  }
0x3a: {  	_ = 	snop  }
0x3b: {  	_ = 	snop  }
0x3c: {  	p2 =	seq.s32 s10, $0x1;
	s10 =	sld [smem:$0x3FB6]  }
0x3d: {  	_ =	shalt  }
0x3e: {  	_ =	shalt  }
0x3f: {  	_ =	shalt  }
0x40: {  	_ =	shalt  }
0x41: {  	_ =	shalt  }
0x42: {  	_ =	shalt  }
0x43: {  	_ =	shalt  }
0x44: {  	_ =	shalt  }
0x45: {  	_ =	shalt  }
0x46: {  	_ =	shalt  }
0x47: {  	_ =	shalt  }
0x48: {  	_ =	shalt  }
0x49: {  	_ =	shalt  }
0x4a: {  	_ =	shalt  }
0x4b: {  	_ =	shalt  }
0x4c: {  	_ =	shalt  }
0x4d: {  	_ =	shalt  }
0x4e: {  	_ =	shalt  }
0x4f: {  	_ =	shalt  }
0x50: {  	_ =	shalt  }
0x51: {  	_ =	shalt  }
0x52: {  	_ =	shalt  }
0x53: {  	_ =	shalt  }
0x54: {  	_ =	shalt  }
0x55: {  	_ =	shalt  }
0x56: {  	_ =	shalt  }
0x57: {  	_ =	shalt  }
0x58: {  	_ =	shalt  }
0x59: {  	_ =	shalt  }
0x5a: {  	_ =	shalt  }
0x5b: {  	_ =	shalt  }
0x5c: {  	_ =	shalt  }
0x5d: {  	_ =	shalt  }
0x5e: {  	_ =	shalt  }
0x5f: {  	_ =	shalt  }
0x60: {  	_ =	shalt  }
0x61: {  	_ =	shalt  }
0x62: {  	_ =	shalt  }
0x63: {  	_ =	shalt  }
0x64: {  	_ =	shalt  }
0x65: {  	_ =	shalt  }
0x66: {  	_ =	shalt  }
0x67: {  	_ =	shalt  }
0x68: {  	_ =	shalt  }
0x69: {  	_ =	shalt  }
0x6a: {  	_ =	shalt  }
0x6b: {  	_ =	shalt  }
0x6c: {  	_ =	shalt  }
0x6d: {  	_ =	shalt  }
0x6e: {  	_ =	shalt  }
0x6f: {  	_ =	shalt  }
0x70: {  	_ =	shalt  }
0x71: {  	_ =	shalt  }
0x72: {  	_ =	shalt  }
0x73: {  	_ =	shalt  }
0x74: {  	_ =	shalt  }
0x75: {  	_ =	shalt  }
0x76: {  	_ =	shalt  }
0x77: {  	_ =	shalt  }
0x78: {  	_ =	shalt  }
0x79: {  	_ =	shalt  }
0x7a: {  	_ =	shalt  }
0x7b: {  	_ =	shalt  }
0x7c: {  	_ =	shalt  }
0x7d: {  	_ =	shalt  }
0x7e: {  	_ =	shalt  }
0x7f: {  	_ =	shalt  }
0x80: {  	_ =	shalt  }
0x81: {  	_ =	shalt  }
0x82: {  	_ =	shalt  }
0x83: {  	_ =	shalt  }
0x84: {  	_ =	shalt  }
0x85: {  	_ =	shalt  }
0x86: {  	_ =	shalt  }
0x87: {  	_ =	shalt  }
.Lfunc_end0:
.L_simem_size_0:
called_computation.1_lowered:
.L_overlay_start_0:
0x88: {  	s2 =	sld [smem:$0x3FD9]  }
0x89: {  	s3 =	sld [smem:$0x3FFE];
	_ =	sdelay $0x1  }
0x8a: {  	s1 =	srdreg.scid  }
0x8b: {  	s0 =	sand.u32 $0x1, s1  }
0x8c: {  	s14 =	sshll.u32 s0, $0xA;
	s2 =	sadd.s32 s3, s2  }
0x8d: {  	s2 =	sadd.s32 s2, s14  }
0x8e: {  	[smem:$0x3FC2] =	sst s2  }
0x8f: {  	_ = 	snop  }
0x90: {  	s2 =	sld [smem:$0x3FD0];
	_ =	sdelay $0x2  }
0x91: {  	s15 =	simm.s32 $0xA;
	s4 =	simm.s32 $0x10  }
0x92: {  	[smem:s4], [sflag:s15] =	dma.local [hbm:s2], $0x1  }
0x93: {  	_ =	swait.eq [sflag:s15], $0x1  }
0x94: {  	[sflag:s15] =	ssyncset.done $0x0  }
0x95: {  	[sflag:s15] =	ssyncadd.s32 $0xFFFFFFFF  }
0x96: {  	s16 =	sld [smem:$0x10];
	(tm) =	ssettm $0x1  }
0x97: {  	s17 =	sld [smem:$0x3FFB];
	_ =	sdelay $0x3  }
0x98: {  	_ =	strace s17  }
0x99: {  	s3 =	sld [smem:$0x3FFC];
	_ =	sdelay $0x3  }
0x9a: {  	_ =	strace s3  }
0x9b: {  	s3 =	sld [smem:$0x3FFD];
	_ =	sdelay $0x3  }
0x9c: {  	_ =	strace s3  }
0x9d: {  	_ =	strace $0x8FFFFFFF  }
0x9e: {  	s18 =	sld [smem:$0x3FDB];
	_ =	sdelay $0x1  }
0x9f: {  	s19 =	simm.s32 $_scs_section_size  }
0xa0: {  	s5 =	simm.s32 $_size__tile_overlayer_lowered;
	s6 =	simm.s32 $_tile_overlayer_lowered  }
0xa1: {  	s22 =	simm.s32 $0x1BFF;
	s21 =	sshll.u32 s6, $0x1;
	s3 =	sadd.s32 s19, s18  }
0xa2: {  	s7 =	simm.s32 $0x0;
	s20 =	sshll.u32 s5, $0x1;
	s5 =	sadd.s32 s21, s3  }
0xa3: {  	[timem:s7], [sflag:s22] =	dma.local [hbm:s5], s20  }
0xa4: {  	_ =	swait.ge [sflag:s22], s20  }
0xa5: {  	s4 =	ssub.s32 $0x0, s20;
	[sflag:s22] =	ssyncset.done $0x0  }
0xa6: {  	[sflag:s22] =	ssyncadd.s32 s4;
	_ =	sdelay $0x1  }
0xa7: {  	s23 =	simm.s32 $0x1B8B  }
0xa8: {  	_ =	swait.ge [sflag:s23], $0x1  }
0xa9: {  	[sflag:s23] =	ssyncset.done $0x0  }
0xaa: {  	s25 =	simm.s32 $0x1B8E;
	s24 =	sld [smem:$0x3FFE];
	[sflag:s23] =	ssyncadd.s32 $0xFFFFFFFF  }
0xab: {  	s26 =	simm.s32 $execute0_lowered;
	[smem:$0x3FD2] =	sst s25  }
0xac: {  	s5 =	sshll.u32 s26, $0x1;
	_ =	strace $0x80000049;
	[dreg:$0x1] =	wrdreg $0xFFFFFFFF  }
0xad: {  	s28 =	simm.s32 $_size_execute0_lowered;
	s3 =	sadd.s32 s3, s5;
	[dreg:$0x0] =	wrdreg $0x0  }
0xae: {  	s5 =	sshll.u32 s28, $0x1;
	[dreg:$0x2] =	wrdreg s3  }
0xaf: {  	[dreg:$0x3] =	wrdreg s5  }
0xb0: {  	[dreg:$0x4] =	wrdreg $0xC0  }
0xb1: {  	_ =	task [dreg:s7], $0x5FFFF  }
0xb2: {  	[dreg:$0x1] =	wrdreg $0xFFFFFFFF  }
0xb3: {  	[dreg:$0x0] =	wrdreg $0x60  }
0xb4: {  	[dreg:$0x2] =	wrdreg s24  }
0xb5: {  	[dreg:$0x3] =	wrdreg s16  }
0xb6: {  	[dreg:$0x4] =	wrdreg $0x9  }
0xb7: {  	_ =	task.clear_ibuf [dreg:s7], $0x5FFFF;
	_ =	strace $0x90000049  }
0xb8: {  	s29 =	simm.s32 $0x9;
	_ =	strace $0x8000004B  }
0xb9: {  	_ =	swait.ge [sflag:s29], $0x1  }
0xba: {  	[sflag:s29] =	ssyncadd.s32 $0xFFFFFFFF  }
0xbb: {  	_ =	strace $0x9000004B  }
0xbc: {  	_ =	sfence  }
0xbd: {  	s30 =	sld [smem:$0x0];
	_ =	sdelay $0x2  }
0xbe: {  	s31 =	sshll.u32 s1, $0xD;
	s1 =	sshrl.u32 s1, $0x2  }
0xbf: {  	s3 =	sand.u32 $0x4000, s31;
	s1 =	sadd.s32 s1, s30  }
0xc0: {  	s0 =	sor.u32 s3, s0;
	s1 =	sshll.u32 s1, $0x11  }
0xc1: {  	s0 =	sor.u32 s1, s0  }
0xc2: {  	s0 =	sadd.s32 $0x8F2B, s0  }
0xc3: {  	[sflag:s0] =	ssyncadd.remote.s32 $0x1  }
0xc4: {  	_ =	sfence.sel $0xFFFF  }
0xc5: {  	[dreg:$0x0] =	wrdreg $0xFFFFFFFF;
	(pc) =	sbr.abs _section_cstart, $3  }
0xc6: {  	[dreg:$0x1] =	wrdreg $0xFFFFFFFF  }
0xc7: {  	_ =	task.clear_ibuf [dreg:s7], $0x2FFFF;
	_ =	strace $0x9FFFFFFF  }
0xc8: {  	(tm) =	ssettm $0x7FFFFFFF  }
0xc9: {  	_ =	shalt  }
tec
execute0_lowered:
.L_overlay_start_1:
0x0: {  	(tag) =	ssettag $0x1  }
0x1: {  	s0 =	srdreg.scid;
	s1 =	rddreg [dreg:$0x0]  }
0x2: {  	s2 =	stileid.u32;
	s6 =	rddreg [dreg:$0x1];
	s31 =	simm.s32 $0x80  }
0x3: {  	s18 =	simm.s32 $0x1;
	s19 =	simm.s32 $0x2;
	s0 =	sand.u32 $0x1, s0  }
0x4: {  	s3 =	sshll.u32 s2, $0x8;
	s2 =	simm.s32 $0x0;
	s7 =	sadd.s32 $0xC1800, s1  }
0x5: {  	s4 =	sshll.u32 s0, $0x7;
	[smem:$0x7FF] =	sst s2;
	s0 =	ssub.s32 $0x2, s0  }
0x6: {  	s4 =	sor.u32 s4, s3;
	_ =	strace $0x8000004A;
	s21 =	sshrl.u32 s0, $0x1  }
0x7: {  	[dreg:$0xd] =	wrdreg s31;
	s3 =	sshrl.u32 s4, $0x3;
	s20 =	sshll.u32 s4, $0x7  }
0x8: {  	s0 =	ssub.s32 s0, s21;
	s4 =	sadd.s32 $0x21900, s1;
	s22 =	sadd.s32 s6, s20  }
0x9: {  	s5 =	sadd.s32 s3, s1;
	s23 =	sadd.s32 s7, s20;
	[dreg:$0x5] =	wrdreg s22  }
0xa: {  	s3 =	sadd.s32 $0x21800, s1;
	s8 =	sadd.s32 $0x141E00, s5;
	[dreg:$0x6] =	wrdreg s23  }
0xb: {  	s9 =	sor.u32 $0x1000, s20;
	s5 =	sadd.s32 $0x141C00, s5;
	[dreg:$0x3] =	wrdreg s8  }
0xc: {  	s26 =	sor.u32 $0x2000, s20;
	s24 =	sadd.s32 s6, s9;
	[dreg:$0x4] =	wrdreg s5  }
0xd: {  	s25 =	sadd.s32 s7, s9;
	s28 =	sadd.s32 s6, s26;
	[dreg:$0x7] =	wrdreg s24  }
0xe: {  	s9 =	sadd.s32 s7, s26;
	s23 =	simm.s32 $0x100;
	[dreg:$0x8] =	wrdreg s25  }
0xf: {  	[dreg:$0x9] =	wrdreg s28;
	s8 =	sor.u32 $0x3000, s20;
	s5 =	sadd.s32 $0x21A00, s1  }
0x10: {  	v2 =	vlaneseq.u32;
	[dreg:$0xa] =	wrdreg s9;
	s25 =	simm.s32 $0x8100;
	s29 =	sadd.s32 s6, s8  }
0x11: {  	vm0 =	vmmov $0xffff;
	v1 =	vshrl.u32 v2, $0x3;
	s6 =	sadd.s32 $0x21B00, s1;
	s30 =	sadd.s32 s7, s8;
	[dreg:$0xb] =	wrdreg s29  }
0x12: {  	v0 =	vand.u32 $0x7, v2;
	v2 =	vor.u32 $0x8, v2;
	v1 =	vmul.u32 $0x8, v1;
	s7 =	smax.u32 s0, $0x1;
	s8 =	simm.s32 $0x3;
	[dreg:$0xc] =	wrdreg s30  }
.LBB2_1:
0x13: {  	s20 =	rddreg [dreg:$0x3]  }
0x14: {  	[tilespmem:s2], [sflag:$0x3] =	stream.linear.gather [hbm4b:s20+s2], $0x80, $0x38;
	[tilespmem:$0x10100] =	vst v63  }
0x15: {  	_ =	swait.ge [sflag:s8], $0x80  }
0x16: {  	s14 =	rddreg [dreg:$0x4];
	[sflag:s8] =	ssyncset.done $0x0  }
0x17: {  	s21 =	rddreg [dreg:$0xd];
	[sflag:s8] =	ssyncadd.s32 $0xFFFFFF80  }
0x18: {  	[tilespmem:s21], [sflag:$0x3] =	stream.linear.gather [hbm4b:s14+s2], $0x80, $0x38;
	[tilespmem:$0x10100] =	vst v63  }
0x19: {  	_ =	swait.ge [sflag:s8], $0x80  }
0x1a: {  	[sflag:s8] =	ssyncset.done $0x0  }
0x1b: {  	[sflag:s8] =	ssyncadd.s32 $0xFFFFFF80  }
0x1c: {  	v3 =	vld [tilespmem:$0x0];
	_ =	sdelay $0x4  }
0x1d: {  	v4 =	vshll.u32 v3, $0x3  }
0x1e: {  	v3 =	vand.u32 $0x7, v3;
	v4 =	vand.u32 $0xFFFFFFC0, v4  }
0x1f: {  	v3 =	vor.u32 v3, v4  }
0x20: {  	v4 =	vperm.xlane v3, v0;
	_ =	sdelay $0x1  }
0x21: {  	v4 =	vadd.s32 v1, v4;
	_ =	sdelay $0x4  }
0x22: {  	[tilespmem:s23], [sflag:$0x1] =	stream.indirect_vreg.gather [hbm4b:s3+s2], $0x80, v4, vm0, $0xb8;
	[tilespmem:$0x10100] =	vst v63  }
0x23: {  	s0 =	simm.s32 $0x900;
	v3 =	vperm.xlane v3, v2  }
0x24: {  	[tilespmem:s0], [sflag:$0x1] =	stream.indirect_vreg.gather [hbm4b:s4+s2], $0x80, v4, vm0, $0xb8;
	[tilespmem:$0x10100] =	vst v63  }
0x25: {  	s15 =	simm.s32 $0x1100;
	v3 =	vadd.s32 v1, v3  }
0x26: {  	[tilespmem:s15], [sflag:$0x1] =	stream.indirect_vreg.gather [hbm4b:s5+s2], $0x80, v4, vm0, $0xb8;
	[tilespmem:$0x10100] =	vst v63  }
0x27: {  	s16 =	simm.s32 $0x1900  }
0x28: {  	[tilespmem:s16], [sflag:$0x1] =	stream.indirect_vreg.gather [hbm4b:s6+s2], $0x80, v4, vm0, $0xb8;
	[tilespmem:$0x10100] =	vst v63  }
0x29: {  	s17 =	simm.s32 $0x2100  }
0x2a: {  	[tilespmem:s17], [sflag:$0x1] =	stream.indirect_vreg.gather [hbm4b:s3+s2], $0x80, v3, vm0, $0xb8;
	[tilespmem:$0x10100] =	vst v63  }
0x2b: {  	s20 =	simm.s32 $0x2900  }
0x2c: {  	[tilespmem:s20], [sflag:$0x1] =	stream.indirect_vreg.gather [hbm4b:s4+s2], $0x80, v3, vm0, $0xb8;
	[tilespmem:$0x10100] =	vst v63  }
0x2d: {  	s21 =	simm.s32 $0x3100  }
0x2e: {  	[tilespmem:s21], [sflag:$0x1] =	stream.indirect_vreg.gather [hbm4b:s5+s2], $0x80, v3, vm0, $0xb8;
	[tilespmem:$0x10100] =	vst v63  }
0x2f: {  	s22 =	simm.s32 $0x3900  }
0x30: {  	[tilespmem:s22], [sflag:$0x1] =	stream.indirect_vreg.gather [hbm4b:s6+s2], $0x80, v3, vm0, $0xb8;
	[tilespmem:$0x10100] =	vst v63  }
0x31: {  	v3 =	vld [tilespmem:$0x10];
	_ =	sdelay $0x4  }
0x32: {  	v49 =	vshll.u32 v3, $0x3  }
0x33: {  	v3 =	vand.u32 $0x7, v3;
	v4 =	vand.u32 $0xFFFFFFC0, v49  }
0x34: {  	v3 =	vor.u32 v3, v4  }
0x35: {  	v4 =	vperm.xlane v3, v0;
	_ =	sdelay $0x1  }
0x36: {  	v4 =	vadd.s32 v1, v4;
	_ =	sdelay $0x3  }
0x37: {  	s24 =	simm.s32 $0x4100  }
0x38: {  	[tilespmem:s24], [sflag:$0x1] =	stream.indirect_vreg.gather [hbm4b:s3+s2], $0x80, v4, vm0, $0xb8;
	[tilespmem:$0x10100] =	vst v63  }
0x39: {  	s26 =	simm.s32 $0x4900;
	v3 =	vperm.xlane v3, v2  }
0x3a: {  	[tilespmem:s26], [sflag:$0x1] =	stream.indirect_vreg.gather [hbm4b:s4+s2], $0x80, v4, vm0, $0xb8;
	[tilespmem:$0x10100] =	vst v63  }
0x3b: {  	s28 =	simm.s32 $0x5100;
	v3 =	vadd.s32 v1, v3  }
0x3c: {  	[tilespmem:s28], [sflag:$0x1] =	stream.indirect_vreg.gather [hbm4b:s5+s2], $0x80, v4, vm0, $0xb8;
	[tilespmem:$0x10100] =	vst v63  }
0x3d: {  	s29 =	simm.s32 $0x5900  }
0x3e: {  	[tilespmem:s29], [sflag:$0x1] =	stream.indirect_vreg.gather [hbm4b:s6+s2], $0x80, v4, vm0, $0xb8;
	[tilespmem:$0x10100] =	vst v63  }
0x3f: {  	s30 =	simm.s32 $0x6100  }
0x40: {  	[tilespmem:s30], [sflag:$0x1] =	stream.indirect_vreg.gather [hbm4b:s3+s2], $0x80, v3, vm0, $0xb8;
	[tilespmem:$0x10100] =	vst v63  }
0x41: {  	s31 =	simm.s32 $0x6900  }
0x42: {  	[tilespmem:s31], [sflag:$0x1] =	stream.indirect_vreg.gather [hbm4b:s4+s2], $0x80, v3, vm0, $0xb8;
	[tilespmem:$0x10100] =	vst v63  }
0x43: {  	s13 =	simm.s32 $0x7100  }
0x44: {  	[tilespmem:s13], [sflag:$0x1] =	stream.indirect_vreg.gather [hbm4b:s5+s2], $0x80, v3, vm0, $0xb8;
	[tilespmem:$0x10100] =	vst v63  }
0x45: {  	s15 =	simm.s32 $0x7900  }
0x46: {  	[tilespmem:s15], [sflag:$0x1] =	stream.indirect_vreg.gather [hbm4b:s6+s2], $0x80, v3, vm0, $0xb8;
	[tilespmem:$0x10100] =	vst v63  }
0x47: {  	v3 =	vld [tilespmem:$0x80];
	_ =	sdelay $0x4  }
0x48: {  	v50 =	vshll.u32 v3, $0x3  }
0x49: {  	v3 =	vand.u32 $0x7, v3;
	v4 =	vand.u32 $0xFFFFFFC0, v50  }
0x4a: {  	v3 =	vor.u32 v3, v4  }
0x4b: {  	v4 =	vperm.xlane v3, v0;
	_ =	sdelay $0x1  }
0x4c: {  	v4 =	vadd.s32 v1, v4;
	_ =	sdelay $0x4  }
0x4d: {  	[tilespmem:s25], [sflag:$0x2] =	stream.indirect_vreg.gather [hbm4b:s3+s2], $0x80, v4, vm0, $0xb8;
	[tilespmem:$0x10100] =	vst v63  }
0x4e: {  	s16 =	simm.s32 $0x8900;
	v3 =	vperm.xlane v3, v2  }
0x4f: {  	[tilespmem:s16], [sflag:$0x2] =	stream.indirect_vreg.gather [hbm4b:s4+s2], $0x80, v4, vm0, $0xb8;
	[tilespmem:$0x10100] =	vst v63  }
0x50: {  	s17 =	simm.s32 $0x9100;
	v3 =	vadd.s32 v1, v3  }
0x51: {  	[tilespmem:s17], [sflag:$0x2] =	stream.indirect_vreg.gather [hbm4b:s5+s2], $0x80, v4, vm0, $0xb8;
	[tilespmem:$0x10100] =	vst v63  }
0x52: {  	s20 =	simm.s32 $0x9900  }
0x53: {  	[tilespmem:s20], [sflag:$0x2] =	stream.indirect_vreg.gather [hbm4b:s6+s2], $0x80, v4, vm0, $0xb8;
	[tilespmem:$0x10100] =	vst v63  }
0x54: {  	s21 =	simm.s32 $0xA100  }
0x55: {  	[tilespmem:s21], [sflag:$0x2] =	stream.indirect_vreg.gather [hbm4b:s3+s2], $0x80, v3, vm0, $0xb8;
	[tilespmem:$0x10100] =	vst v63  }
0x56: {  	s22 =	simm.s32 $0xA900  }
0x57: {  	[tilespmem:s22], [sflag:$0x2] =	stream.indirect_vreg.gather [hbm4b:s4+s2], $0x80, v3, vm0, $0xb8;
	[tilespmem:$0x10100] =	vst v63  }
0x58: {  	s24 =	simm.s32 $0xB100  }
0x59: {  	[tilespmem:s24], [sflag:$0x2] =	stream.indirect_vreg.gather [hbm4b:s5+s2], $0x80, v3, vm0, $0xb8;
	[tilespmem:$0x10100] =	vst v63  }
0x5a: {  	s26 =	simm.s32 $0xB900  }
0x5b: {  	[tilespmem:s26], [sflag:$0x2] =	stream.indirect_vreg.gather [hbm4b:s6+s2], $0x80, v3, vm0, $0xb8;
	[tilespmem:$0x10100] =	vst v63  }
0x5c: {  	v3 =	vld [tilespmem:$0x90];
	_ =	sdelay $0x4  }
0x5d: {  	v51 =	vshll.u32 v3, $0x3  }
0x5e: {  	v3 =	vand.u32 $0x7, v3;
	v4 =	vand.u32 $0xFFFFFFC0, v51  }
0x5f: {  	v3 =	vor.u32 v3, v4  }
0x60: {  	v4 =	vperm.xlane v3, v0;
	_ =	sdelay $0x1  }
0x61: {  	v4 =	vadd.s32 v1, v4;
	_ =	sdelay $0x3  }
0x62: {  	s31 =	simm.s32 $0xC100  }
0x63: {  	[tilespmem:s31], [sflag:$0x2] =	stream.indirect_vreg.gather [hbm4b:s3+s2], $0x80, v4, vm0, $0xb8;
	[tilespmem:$0x10100] =	vst v63  }
0x64: {  	s0 =	simm.s32 $0xC900;
	v3 =	vperm.xlane v3, v2  }
0x65: {  	[tilespmem:s0], [sflag:$0x2] =	stream.indirect_vreg.gather [hbm4b:s4+s2], $0x80, v4, vm0, $0xb8;
	[tilespmem:$0x10100] =	vst v63  }
0x66: {  	s15 =	simm.s32 $0xD100;
	v3 =	vadd.s32 v1, v3  }
0x67: {  	[tilespmem:s15], [sflag:$0x2] =	stream.indirect_vreg.gather [hbm4b:s5+s2], $0x80, v4, vm0, $0xb8;
	[tilespmem:$0x10100] =	vst v63  }
0x68: {  	s16 =	simm.s32 $0xD900  }
0x69: {  	[tilespmem:s16], [sflag:$0x2] =	stream.indirect_vreg.gather [hbm4b:s6+s2], $0x80, v4, vm0, $0xb8;
	[tilespmem:$0x10100] =	vst v63  }
0x6a: {  	s17 =	simm.s32 $0xE100  }
0x6b: {  	[tilespmem:s17], [sflag:$0x2] =	stream.indirect_vreg.gather [hbm4b:s3+s2], $0x80, v3, vm0, $0xb8;
	[tilespmem:$0x10100] =	vst v63  }
0x6c: {  	s21 =	simm.s32 $0xE900  }
0x6d: {  	[tilespmem:s21], [sflag:$0x2] =	stream.indirect_vreg.gather [hbm4b:s4+s2], $0x80, v3, vm0, $0xb8;
	[tilespmem:$0x10100] =	vst v63  }
0x6e: {  	s0 =	simm.s32 $0xF100  }
0x6f: {  	[tilespmem:s0], [sflag:$0x2] =	stream.indirect_vreg.gather [hbm4b:s5+s2], $0x80, v3, vm0, $0xb8;
	[tilespmem:$0x10100] =	vst v63  }
0x70: {  	s15 =	simm.s32 $0xF900  }
0x71: {  	[tilespmem:s15], [sflag:$0x2] =	stream.indirect_vreg.gather [hbm4b:s6+s2], $0x80, v3, vm0, $0xb8;
	[tilespmem:$0x10100] =	vst v63  }
0x72: {  	_ =	swait.ge [sflag:s18], $0x8000  }
0x73: {  	[sflag:s18] =	ssyncset.done $0x0  }
0x74: {  	s16 =	rddreg [dreg:$0x5];
	[sflag:s18] =	ssyncadd.s32 $0xFFFF8000  }
0x75: {  	[hbm4b:s16+s2] =	stream.linear.scatter [tilespmem:s23], [sflag:$0x3], $0x8000, $0x38;
	[tilespmem:$0x10100] =	vst v63  }
0x76: {  	_ =	swait.ge [sflag:s8], $0x8000  }
0x77: {  	[sflag:s8] =	ssyncset.done $0x0  }
0x78: {  	[sflag:s8] =	ssyncadd.s32 $0xFFFF8000  }
0x79: {  	_ =	swait.ge [sflag:s19], $0x8000  }
0x7a: {  	[sflag:s19] =	ssyncset.done $0x0  }
0x7b: {  	s17 =	rddreg [dreg:$0x6];
	[sflag:s19] =	ssyncadd.s32 $0xFFFF8000  }
0x7c: {  	[hbm4b:s17+s2] =	stream.linear.scatter [tilespmem:s25], [sflag:$0x3], $0x8000, $0x38;
	[tilespmem:$0x10100] =	vst v63  }
0x7d: {  	_ =	swait.ge [sflag:s8], $0x8000  }
0x7e: {  	[sflag:s8] =	ssyncset.done $0x0  }
0x7f: {  	[sflag:s8] =	ssyncadd.s32 $0xFFFF8000  }
0x80: {  	v3 =	vld [tilespmem:$0x20];
	_ =	sdelay $0x4  }
0x81: {  	v52 =	vshll.u32 v3, $0x3  }
0x82: {  	v3 =	vand.u32 $0x7, v3;
	v4 =	vand.u32 $0xFFFFFFC0, v52  }
0x83: {  	v3 =	vor.u32 v3, v4  }
0x84: {  	v4 =	vperm.xlane v3, v0;
	_ =	sdelay $0x1  }
0x85: {  	v4 =	vadd.s32 v1, v4;
	_ =	sdelay $0x4  }
0x86: {  	[tilespmem:s23], [sflag:$0x1] =	stream.indirect_vreg.gather [hbm4b:s3+s2], $0x80, v4, vm0, $0xb8;
	[tilespmem:$0x10100] =	vst v63  }
0x87: {  	s14 =	simm.s32 $0x900;
	v3 =	vperm.xlane v3, v2  }
0x88: {  	[tilespmem:s14], [sflag:$0x1] =	stream.indirect_vreg.gather [hbm4b:s4+s2], $0x80, v4, vm0, $0xb8;
	[tilespmem:$0x10100] =	vst v63  }
0x89: {  	s1 =	simm.s32 $0x1100;
	v3 =	vadd.s32 v1, v3  }
0x8a: {  	[tilespmem:s1], [sflag:$0x1] =	stream.indirect_vreg.gather [hbm4b:s5+s2], $0x80, v4, vm0, $0xb8;
	[tilespmem:$0x10100] =	vst v63  }
0x8b: {  	s9 =	simm.s32 $0x1900  }
0x8c: {  	[tilespmem:s9], [sflag:$0x1] =	stream.indirect_vreg.gather [hbm4b:s6+s2], $0x80, v4, vm0, $0xb8;
	[tilespmem:$0x10100] =	vst v63  }
0x8d: {  	s10 =	simm.s32 $0x2100  }
0x8e: {  	[tilespmem:s10], [sflag:$0x1] =	stream.indirect_vreg.gather [hbm4b:s3+s2], $0x80, v3, vm0, $0xb8;
	[tilespmem:$0x10100] =	vst v63  }
0x8f: {  	s11 =	simm.s32 $0x2900  }
0x90: {  	[tilespmem:s11], [sflag:$0x1] =	stream.indirect_vreg.gather [hbm4b:s4+s2], $0x80, v3, vm0, $0xb8;
	[tilespmem:$0x10100] =	vst v63  }
0x91: {  	s12 =	simm.s32 $0x3100  }
0x92: {  	[tilespmem:s12], [sflag:$0x1] =	stream.indirect_vreg.gather [hbm4b:s5+s2], $0x80, v3, vm0, $0xb8;
	[tilespmem:$0x10100] =	vst v63  }
0x93: {  	s17 =	simm.s32 $0x3900  }
0x94: {  	[tilespmem:s17], [sflag:$0x1] =	stream.indirect_vreg.gather [hbm4b:s6+s2], $0x80, v3, vm0, $0xb8;
	[tilespmem:$0x10100] =	vst v63  }
0x95: {  	v3 =	vld [tilespmem:$0x30];
	_ =	sdelay $0x4  }
0x96: {  	v53 =	vshll.u32 v3, $0x3  }
0x97: {  	v3 =	vand.u32 $0x7, v3;
	v4 =	vand.u32 $0xFFFFFFC0, v53  }
0x98: {  	v3 =	vor.u32 v3, v4  }
0x99: {  	v4 =	vperm.xlane v3, v0;
	_ =	sdelay $0x1  }
0x9a: {  	v4 =	vadd.s32 v1, v4;
	_ =	sdelay $0x3  }
0x9b: {  	s15 =	simm.s32 $0x4100  }
0x9c: {  	[tilespmem:s15], [sflag:$0x1] =	stream.indirect_vreg.gather [hbm4b:s3+s2], $0x80, v4, vm0, $0xb8;
	[tilespmem:$0x10100] =	vst v63  }
0x9d: {  	s16 =	simm.s32 $0x4900;
	v3 =	vperm.xlane v3, v2  }
0x9e: {  	[tilespmem:s16], [sflag:$0x1] =	stream.indirect_vreg.gather [hbm4b:s4+s2], $0x80, v4, vm0, $0xb8;
	[tilespmem:$0x10100] =	vst v63  }
0x9f: {  	s1 =	simm.s32 $0x5100;
	v3 =	vadd.s32 v1, v3  }
0xa0: {  	[tilespmem:s1], [sflag:$0x1] =	stream.indirect_vreg.gather [hbm4b:s5+s2], $0x80, v4, vm0, $0xb8;
	[tilespmem:$0x10100] =	vst v63  }
0xa1: {  	s0 =	simm.s32 $0x5900  }
0xa2: {  	[tilespmem:s0], [sflag:$0x1] =	stream.indirect_vreg.gather [hbm4b:s6+s2], $0x80, v4, vm0, $0xb8;
	[tilespmem:$0x10100] =	vst v63  }
0xa3: {  	s9 =	simm.s32 $0x6100  }
0xa4: {  	[tilespmem:s9], [sflag:$0x1] =	stream.indirect_vreg.gather [hbm4b:s3+s2], $0x80, v3, vm0, $0xb8;
	[tilespmem:$0x10100] =	vst v63  }
0xa5: {  	s10 =	simm.s32 $0x6900  }
0xa6: {  	[tilespmem:s10], [sflag:$0x1] =	stream.indirect_vreg.gather [hbm4b:s4+s2], $0x80, v3, vm0, $0xb8;
	[tilespmem:$0x10100] =	vst v63  }
0xa7: {  	s11 =	simm.s32 $0x7100  }
0xa8: {  	[tilespmem:s11], [sflag:$0x1] =	stream.indirect_vreg.gather [hbm4b:s5+s2], $0x80, v3, vm0, $0xb8;
	[tilespmem:$0x10100] =	vst v63  }
0xa9: {  	s13 =	simm.s32 $0x7900  }
0xaa: {  	[tilespmem:s13], [sflag:$0x1] =	stream.indirect_vreg.gather [hbm4b:s6+s2], $0x80, v3, vm0, $0xb8;
	[tilespmem:$0x10100] =	vst v63  }
0xab: {  	v3 =	vld [tilespmem:$0xA0];
	_ =	sdelay $0x4  }
0xac: {  	v54 =	vshll.u32 v3, $0x3  }
0xad: {  	v3 =	vand.u32 $0x7, v3;
	v4 =	vand.u32 $0xFFFFFFC0, v54  }
0xae: {  	v3 =	vor.u32 v3, v4  }
0xaf: {  	v4 =	vperm.xlane v3, v0;
	_ =	sdelay $0x1  }
0xb0: {  	v4 =	vadd.s32 v1, v4;
	_ =	sdelay $0x4  }
0xb1: {  	[tilespmem:s25], [sflag:$0x2] =	stream.indirect_vreg.gather [hbm4b:s3+s2], $0x80, v4, vm0, $0xb8;
	[tilespmem:$0x10100] =	vst v63  }
0xb2: {  	s14 =	simm.s32 $0x8900;
	v3 =	vperm.xlane v3, v2  }
0xb3: {  	[tilespmem:s14], [sflag:$0x2] =	stream.indirect_vreg.gather [hbm4b:s4+s2], $0x80, v4, vm0, $0xb8;
	[tilespmem:$0x10100] =	vst v63  }
0xb4: {  	s12 =	simm.s32 $0x9100;
	v3 =	vadd.s32 v1, v3  }
0xb5: {  	[tilespmem:s12], [sflag:$0x2] =	stream.indirect_vreg.gather [hbm4b:s5+s2], $0x80, v4, vm0, $0xb8;
	[tilespmem:$0x10100] =	vst v63  }
0xb6: {  	s13 =	simm.s32 $0x9900  }
0xb7: {  	[tilespmem:s13], [sflag:$0x2] =	stream.indirect_vreg.gather [hbm4b:s6+s2], $0x80, v4, vm0, $0xb8;
	[tilespmem:$0x10100] =	vst v63  }
0xb8: {  	s28 =	simm.s32 $0xA100  }
0xb9: {  	[tilespmem:s28], [sflag:$0x2] =	stream.indirect_vreg.gather [hbm4b:s3+s2], $0x80, v3, vm0, $0xb8;
	[tilespmem:$0x10100] =	vst v63  }
0xba: {  	s29 =	simm.s32 $0xA900  }
0xbb: {  	[tilespmem:s29], [sflag:$0x2] =	stream.indirect_vreg.gather [hbm4b:s4+s2], $0x80, v3, vm0, $0xb8;
	[tilespmem:$0x10100] =	vst v63  }
0xbc: {  	s30 =	simm.s32 $0xB100  }
0xbd: {  	[tilespmem:s30], [sflag:$0x2] =	stream.indirect_vreg.gather [hbm4b:s5+s2], $0x80, v3, vm0, $0xb8;
	[tilespmem:$0x10100] =	vst v63  }
0xbe: {  	s22 =	simm.s32 $0xB900  }
0xbf: {  	[tilespmem:s22], [sflag:$0x2] =	stream.indirect_vreg.gather [hbm4b:s6+s2], $0x80, v3, vm0, $0xb8;
	[tilespmem:$0x10100] =	vst v63  }
0xc0: {  	v3 =	vld [tilespmem:$0xB0];
	_ =	sdelay $0x4  }
0xc1: {  	v55 =	vshll.u32 v3, $0x3  }
0xc2: {  	v3 =	vand.u32 $0x7, v3;
	v4 =	vand.u32 $0xFFFFFFC0, v55  }
0xc3: {  	v3 =	vor.u32 v3, v4  }
0xc4: {  	v4 =	vperm.xlane v3, v0;
	_ =	sdelay $0x1  }
0xc5: {  	v4 =	vadd.s32 v1, v4;
	_ =	sdelay $0x3  }
0xc6: {  	s24 =	simm.s32 $0xC100  }
0xc7: {  	[tilespmem:s24], [sflag:$0x2] =	stream.indirect_vreg.gather [hbm4b:s3+s2], $0x80, v4, vm0, $0xb8;
	[tilespmem:$0x10100] =	vst v63  }
0xc8: {  	s26 =	simm.s32 $0xC900;
	v3 =	vperm.xlane v3, v2  }
0xc9: {  	[tilespmem:s26], [sflag:$0x2] =	stream.indirect_vreg.gather [hbm4b:s4+s2], $0x80, v4, vm0, $0xb8;
	[tilespmem:$0x10100] =	vst v63  }
0xca: {  	s31 =	simm.s32 $0xD100;
	v3 =	vadd.s32 v1, v3  }
0xcb: {  	[tilespmem:s31], [sflag:$0x2] =	stream.indirect_vreg.gather [hbm4b:s5+s2], $0x80, v4, vm0, $0xb8;
	[tilespmem:$0x10100] =	vst v63  }
0xcc: {  	s22 =	simm.s32 $0xD900  }
0xcd: {  	[tilespmem:s22], [sflag:$0x2] =	stream.indirect_vreg.gather [hbm4b:s6+s2], $0x80, v4, vm0, $0xb8;
	[tilespmem:$0x10100] =	vst v63  }
0xce: {  	s24 =	simm.s32 $0xE100  }
0xcf: {  	[tilespmem:s24], [sflag:$0x2] =	stream.indirect_vreg.gather [hbm4b:s3+s2], $0x80, v3, vm0, $0xb8;
	[tilespmem:$0x10100] =	vst v63  }
0xd0: {  	s26 =	simm.s32 $0xE900  }
0xd1: {  	[tilespmem:s26], [sflag:$0x2] =	stream.indirect_vreg.gather [hbm4b:s4+s2], $0x80, v3, vm0, $0xb8;
	[tilespmem:$0x10100] =	vst v63  }
0xd2: {  	s30 =	simm.s32 $0xF100  }
0xd3: {  	[tilespmem:s30], [sflag:$0x2] =	stream.indirect_vreg.gather [hbm4b:s5+s2], $0x80, v3, vm0, $0xb8;
	[tilespmem:$0x10100] =	vst v63  }
0xd4: {  	s21 =	simm.s32 $0xF900  }
0xd5: {  	[tilespmem:s21], [sflag:$0x2] =	stream.indirect_vreg.gather [hbm4b:s6+s2], $0x80, v3, vm0, $0xb8;
	[tilespmem:$0x10100] =	vst v63  }
0xd6: {  	_ =	swait.ge [sflag:s18], $0x8000  }
0xd7: {  	[sflag:s18] =	ssyncset.done $0x0  }
0xd8: {  	s21 =	rddreg [dreg:$0x7];
	[sflag:s18] =	ssyncadd.s32 $0xFFFF8000  }
0xd9: {  	[hbm4b:s21+s2] =	stream.linear.scatter [tilespmem:s23], [sflag:$0x3], $0x8000, $0x38;
	[tilespmem:$0x10100] =	vst v63  }
0xda: {  	_ =	swait.ge [sflag:s8], $0x8000  }
0xdb: {  	[sflag:s8] =	ssyncset.done $0x0  }
0xdc: {  	[sflag:s8] =	ssyncadd.s32 $0xFFFF8000  }
0xdd: {  	_ =	swait.ge [sflag:s19], $0x8000  }
0xde: {  	[sflag:s19] =	ssyncset.done $0x0  }
0xdf: {  	s26 =	rddreg [dreg:$0x8];
	[sflag:s19] =	ssyncadd.s32 $0xFFFF8000  }
0xe0: {  	[hbm4b:s26+s2] =	stream.linear.scatter [tilespmem:s25], [sflag:$0x3], $0x8000, $0x38;
	[tilespmem:$0x10100] =	vst v63  }
0xe1: {  	_ =	swait.ge [sflag:s8], $0x8000  }
0xe2: {  	[sflag:s8] =	ssyncset.done $0x0  }
0xe3: {  	[sflag:s8] =	ssyncadd.s32 $0xFFFF8000  }
0xe4: {  	v3 =	vld [tilespmem:$0x40];
	_ =	sdelay $0x4  }
0xe5: {  	v56 =	vshll.u32 v3, $0x3  }
0xe6: {  	v3 =	vand.u32 $0x7, v3;
	v4 =	vand.u32 $0xFFFFFFC0, v56  }
0xe7: {  	v3 =	vor.u32 v3, v4  }
0xe8: {  	v4 =	vperm.xlane v3, v0;
	_ =	sdelay $0x1  }
0xe9: {  	v4 =	vadd.s32 v1, v4;
	_ =	sdelay $0x4  }
0xea: {  	[tilespmem:s23], [sflag:$0x1] =	stream.indirect_vreg.gather [hbm4b:s3+s2], $0x80, v4, vm0, $0xb8;
	[tilespmem:$0x10100] =	vst v63  }
0xeb: {  	s21 =	simm.s32 $0x900;
	v3 =	vperm.xlane v3, v2  }
0xec: {  	[tilespmem:s21], [sflag:$0x1] =	stream.indirect_vreg.gather [hbm4b:s4+s2], $0x80, v4, vm0, $0xb8;
	[tilespmem:$0x10100] =	vst v63  }
0xed: {  	s26 =	simm.s32 $0x1100;
	v3 =	vadd.s32 v1, v3  }
0xee: {  	[tilespmem:s26], [sflag:$0x1] =	stream.indirect_vreg.gather [hbm4b:s5+s2], $0x80, v4, vm0, $0xb8;
	[tilespmem:$0x10100] =	vst v63  }
0xef: {  	s21 =	simm.s32 $0x1900  }
0xf0: {  	[tilespmem:s21], [sflag:$0x1] =	stream.indirect_vreg.gather [hbm4b:s6+s2], $0x80, v4, vm0, $0xb8;
	[tilespmem:$0x10100] =	vst v63  }
0xf1: {  	s26 =	simm.s32 $0x2100  }
0xf2: {  	[tilespmem:s26], [sflag:$0x1] =	stream.indirect_vreg.gather [hbm4b:s3+s2], $0x80, v3, vm0, $0xb8;
	[tilespmem:$0x10100] =	vst v63  }
0xf3: {  	s21 =	simm.s32 $0x2900  }
0xf4: {  	[tilespmem:s21], [sflag:$0x1] =	stream.indirect_vreg.gather [hbm4b:s4+s2], $0x80, v3, vm0, $0xb8;
	[tilespmem:$0x10100] =	vst v63  }
0xf5: {  	s26 =	simm.s32 $0x3100  }
0xf6: {  	[tilespmem:s26], [sflag:$0x1] =	stream.indirect_vreg.gather [hbm4b:s5+s2], $0x80, v3, vm0, $0xb8;
	[tilespmem:$0x10100] =	vst v63  }
0xf7: {  	_ = 	snop  }
0xf8: {  	[tilespmem:s17], [sflag:$0x1] =	stream.indirect_vreg.gather [hbm4b:s6+s2], $0x80, v3, vm0, $0xb8;
	[tilespmem:$0x10100] =	vst v63  }
0xf9: {  	v3 =	vld [tilespmem:$0x50];
	_ =	sdelay $0x4  }
0xfa: {  	v57 =	vshll.u32 v3, $0x3  }
0xfb: {  	v3 =	vand.u32 $0x7, v3;
	v4 =	vand.u32 $0xFFFFFFC0, v57  }
0xfc: {  	v3 =	vor.u32 v3, v4  }
0xfd: {  	v4 =	vperm.xlane v3, v0;
	_ =	sdelay $0x1  }
0xfe: {  	v4 =	vadd.s32 v1, v4;
	_ =	sdelay $0x4  }
0xff: {  	[tilespmem:s15], [sflag:$0x1] =	stream.indirect_vreg.gather [hbm4b:s3+s2], $0x80, v4, vm0, $0xb8;
	[tilespmem:$0x10100] =	vst v63  }
0x100: {  	v3 =	vperm.xlane v3, v2  }
0x101: {  	[tilespmem:s16], [sflag:$0x1] =	stream.indirect_vreg.gather [hbm4b:s4+s2], $0x80, v4, vm0, $0xb8;
	[tilespmem:$0x10100] =	vst v63  }
0x102: {  	v3 =	vadd.s32 v1, v3  }
0x103: {  	[tilespmem:s1], [sflag:$0x1] =	stream.indirect_vreg.gather [hbm4b:s5+s2], $0x80, v4, vm0, $0xb8;
	[tilespmem:$0x10100] =	vst v63  }
0x104: {  	_ = 	snop  }
0x105: {  	[tilespmem:s0], [sflag:$0x1] =	stream.indirect_vreg.gather [hbm4b:s6+s2], $0x80, v4, vm0, $0xb8;
	[tilespmem:$0x10100] =	vst v63  }
0x106: {  	_ = 	snop  }
0x107: {  	[tilespmem:s9], [sflag:$0x1] =	stream.indirect_vreg.gather [hbm4b:s3+s2], $0x80, v3, vm0, $0xb8;
	[tilespmem:$0x10100] =	vst v63  }
0x108: {  	_ = 	snop  }
0x109: {  	[tilespmem:s10], [sflag:$0x1] =	stream.indirect_vreg.gather [hbm4b:s4+s2], $0x80, v3, vm0, $0xb8;
	[tilespmem:$0x10100] =	vst v63  }
0x10a: {  	_ = 	snop  }
0x10b: {  	[tilespmem:s11], [sflag:$0x1] =	stream.indirect_vreg.gather [hbm4b:s5+s2], $0x80, v3, vm0, $0xb8;
	[tilespmem:$0x10100] =	vst v63  }
0x10c: {  	s21 =	simm.s32 $0x7900  }
0x10d: {  	[tilespmem:s21], [sflag:$0x1] =	stream.indirect_vreg.gather [hbm4b:s6+s2], $0x80, v3, vm0, $0xb8;
	[tilespmem:$0x10100] =	vst v63  }
0x10e: {  	v3 =	vld [tilespmem:$0xC0];
	_ =	sdelay $0x4  }
0x10f: {  	v58 =	vshll.u32 v3, $0x3  }
0x110: {  	v3 =	vand.u32 $0x7, v3;
	v4 =	vand.u32 $0xFFFFFFC0, v58  }
0x111: {  	v3 =	vor.u32 v3, v4  }
0x112: {  	v4 =	vperm.xlane v3, v0;
	_ =	sdelay $0x1  }
0x113: {  	v4 =	vadd.s32 v1, v4;
	_ =	sdelay $0x4  }
0x114: {  	[tilespmem:s25], [sflag:$0x2] =	stream.indirect_vreg.gather [hbm4b:s3+s2], $0x80, v4, vm0, $0xb8;
	[tilespmem:$0x10100] =	vst v63  }
0x115: {  	v3 =	vperm.xlane v3, v2  }
0x116: {  	[tilespmem:s14], [sflag:$0x2] =	stream.indirect_vreg.gather [hbm4b:s4+s2], $0x80, v4, vm0, $0xb8;
	[tilespmem:$0x10100] =	vst v63  }
0x117: {  	v3 =	vadd.s32 v1, v3  }
0x118: {  	[tilespmem:s12], [sflag:$0x2] =	stream.indirect_vreg.gather [hbm4b:s5+s2], $0x80, v4, vm0, $0xb8;
	[tilespmem:$0x10100] =	vst v63  }
0x119: {  	_ = 	snop  }
0x11a: {  	[tilespmem:s13], [sflag:$0x2] =	stream.indirect_vreg.gather [hbm4b:s6+s2], $0x80, v4, vm0, $0xb8;
	[tilespmem:$0x10100] =	vst v63  }
0x11b: {  	s26 =	simm.s32 $0xA100  }
0x11c: {  	[tilespmem:s26], [sflag:$0x2] =	stream.indirect_vreg.gather [hbm4b:s3+s2], $0x80, v3, vm0, $0xb8;
	[tilespmem:$0x10100] =	vst v63  }
0x11d: {  	s28 =	simm.s32 $0xA900  }
0x11e: {  	[tilespmem:s28], [sflag:$0x2] =	stream.indirect_vreg.gather [hbm4b:s4+s2], $0x80, v3, vm0, $0xb8;
	[tilespmem:$0x10100] =	vst v63  }
0x11f: {  	s29 =	simm.s32 $0xB100  }
0x120: {  	[tilespmem:s29], [sflag:$0x2] =	stream.indirect_vreg.gather [hbm4b:s5+s2], $0x80, v3, vm0, $0xb8;
	[tilespmem:$0x10100] =	vst v63  }
0x121: {  	s21 =	simm.s32 $0xB900  }
0x122: {  	[tilespmem:s21], [sflag:$0x2] =	stream.indirect_vreg.gather [hbm4b:s6+s2], $0x80, v3, vm0, $0xb8;
	[tilespmem:$0x10100] =	vst v63  }
0x123: {  	v3 =	vld [tilespmem:$0xD0];
	_ =	sdelay $0x4  }
0x124: {  	v59 =	vshll.u32 v3, $0x3  }
0x125: {  	v3 =	vand.u32 $0x7, v3;
	v4 =	vand.u32 $0xFFFFFFC0, v59  }
0x126: {  	v3 =	vor.u32 v3, v4  }
0x127: {  	v4 =	vperm.xlane v3, v0;
	_ =	sdelay $0x1  }
0x128: {  	v4 =	vadd.s32 v1, v4;
	_ =	sdelay $0x3  }
0x129: {  	s29 =	simm.s32 $0xC100  }
0x12a: {  	[tilespmem:s29], [sflag:$0x2] =	stream.indirect_vreg.gather [hbm4b:s3+s2], $0x80, v4, vm0, $0xb8;
	[tilespmem:$0x10100] =	vst v63  }
0x12b: {  	s21 =	simm.s32 $0xC900;
	v3 =	vperm.xlane v3, v2  }
0x12c: {  	[tilespmem:s21], [sflag:$0x2] =	stream.indirect_vreg.gather [hbm4b:s4+s2], $0x80, v4, vm0, $0xb8;
	[tilespmem:$0x10100] =	vst v63  }
0x12d: {  	v3 =	vadd.s32 v1, v3;
	s29 =	simm.s32 $0xD100  }
0x12e: {  	[tilespmem:s29], [sflag:$0x2] =	stream.indirect_vreg.gather [hbm4b:s5+s2], $0x80, v4, vm0, $0xb8;
	[tilespmem:$0x10100] =	vst v63  }
0x12f: {  	s22 =	simm.s32 $0xD900  }
0x130: {  	[tilespmem:s22], [sflag:$0x2] =	stream.indirect_vreg.gather [hbm4b:s6+s2], $0x80, v4, vm0, $0xb8;
	[tilespmem:$0x10100] =	vst v63  }
0x131: {  	s31 =	simm.s32 $0xE100  }
0x132: {  	[tilespmem:s31], [sflag:$0x2] =	stream.indirect_vreg.gather [hbm4b:s3+s2], $0x80, v3, vm0, $0xb8;
	[tilespmem:$0x10100] =	vst v63  }
0x133: {  	s24 =	simm.s32 $0xE900  }
0x134: {  	[tilespmem:s24], [sflag:$0x2] =	stream.indirect_vreg.gather [hbm4b:s4+s2], $0x80, v3, vm0, $0xb8;
	[tilespmem:$0x10100] =	vst v63  }
0x135: {  	s30 =	simm.s32 $0xF100  }
0x136: {  	[tilespmem:s30], [sflag:$0x2] =	stream.indirect_vreg.gather [hbm4b:s5+s2], $0x80, v3, vm0, $0xb8;
	[tilespmem:$0x10100] =	vst v63  }
0x137: {  	s30 =	simm.s32 $0xF900  }
0x138: {  	[tilespmem:s30], [sflag:$0x2] =	stream.indirect_vreg.gather [hbm4b:s6+s2], $0x80, v3, vm0, $0xb8;
	[tilespmem:$0x10100] =	vst v63  }
0x139: {  	_ =	swait.ge [sflag:s18], $0x8000  }
0x13a: {  	[sflag:s18] =	ssyncset.done $0x0  }
0x13b: {  	s31 =	rddreg [dreg:$0x9];
	[sflag:s18] =	ssyncadd.s32 $0xFFFF8000  }
0x13c: {  	[hbm4b:s31+s2] =	stream.linear.scatter [tilespmem:s23], [sflag:$0x3], $0x8000, $0x38;
	[tilespmem:$0x10100] =	vst v63  }
0x13d: {  	_ =	swait.ge [sflag:s8], $0x8000  }
0x13e: {  	[sflag:s8] =	ssyncset.done $0x0  }
0x13f: {  	[sflag:s8] =	ssyncadd.s32 $0xFFFF8000  }
0x140: {  	_ =	swait.ge [sflag:s19], $0x8000  }
0x141: {  	[sflag:s19] =	ssyncset.done $0x0  }
0x142: {  	s31 =	rddreg [dreg:$0xa];
	[sflag:s19] =	ssyncadd.s32 $0xFFFF8000  }
0x143: {  	[hbm4b:s31+s2] =	stream.linear.scatter [tilespmem:s25], [sflag:$0x3], $0x8000, $0x38;
	[tilespmem:$0x10100] =	vst v63  }
0x144: {  	_ =	swait.ge [sflag:s8], $0x8000  }
0x145: {  	[sflag:s8] =	ssyncset.done $0x0  }
0x146: {  	[sflag:s8] =	ssyncadd.s32 $0xFFFF8000  }
0x147: {  	v3 =	vld [tilespmem:$0x60];
	_ =	sdelay $0x4  }
0x148: {  	v60 =	vshll.u32 v3, $0x3  }
0x149: {  	v3 =	vand.u32 $0x7, v3;
	v4 =	vand.u32 $0xFFFFFFC0, v60  }
0x14a: {  	v3 =	vor.u32 v3, v4  }
0x14b: {  	v4 =	vperm.xlane v3, v0;
	_ =	sdelay $0x1  }
0x14c: {  	v4 =	vadd.s32 v1, v4;
	_ =	sdelay $0x4  }
0x14d: {  	[tilespmem:s23], [sflag:$0x1] =	stream.indirect_vreg.gather [hbm4b:s3+s2], $0x80, v4, vm0, $0xb8;
	[tilespmem:$0x10100] =	vst v63  }
0x14e: {  	s31 =	simm.s32 $0x900;
	v3 =	vperm.xlane v3, v2  }
0x14f: {  	[tilespmem:s31], [sflag:$0x1] =	stream.indirect_vreg.gather [hbm4b:s4+s2], $0x80, v4, vm0, $0xb8;
	[tilespmem:$0x10100] =	vst v63  }
0x150: {  	v3 =	vadd.s32 v1, v3;
	s31 =	simm.s32 $0x1100  }
0x151: {  	[tilespmem:s31], [sflag:$0x1] =	stream.indirect_vreg.gather [hbm4b:s5+s2], $0x80, v4, vm0, $0xb8;
	[tilespmem:$0x10100] =	vst v63  }
0x152: {  	s31 =	simm.s32 $0x1900  }
0x153: {  	[tilespmem:s31], [sflag:$0x1] =	stream.indirect_vreg.gather [hbm4b:s6+s2], $0x80, v4, vm0, $0xb8;
	[tilespmem:$0x10100] =	vst v63  }
0x154: {  	s31 =	simm.s32 $0x2100  }
0x155: {  	[tilespmem:s31], [sflag:$0x1] =	stream.indirect_vreg.gather [hbm4b:s3+s2], $0x80, v3, vm0, $0xb8;
	[tilespmem:$0x10100] =	vst v63  }
0x156: {  	s31 =	simm.s32 $0x2900  }
0x157: {  	[tilespmem:s31], [sflag:$0x1] =	stream.indirect_vreg.gather [hbm4b:s4+s2], $0x80, v3, vm0, $0xb8;
	[tilespmem:$0x10100] =	vst v63  }
0x158: {  	s31 =	simm.s32 $0x3100  }
0x159: {  	[tilespmem:s31], [sflag:$0x1] =	stream.indirect_vreg.gather [hbm4b:s5+s2], $0x80, v3, vm0, $0xb8;
	[tilespmem:$0x10100] =	vst v63  }
0x15a: {  	s17 =	simm.s32 $0x3900  }
0x15b: {  	[tilespmem:s17], [sflag:$0x1] =	stream.indirect_vreg.gather [hbm4b:s6+s2], $0x80, v3, vm0, $0xb8;
	[tilespmem:$0x10100] =	vst v63  }
0x15c: {  	v3 =	vld [tilespmem:$0x70];
	_ =	sdelay $0x4  }
0x15d: {  	v61 =	vshll.u32 v3, $0x3  }
0x15e: {  	v3 =	vand.u32 $0x7, v3;
	v4 =	vand.u32 $0xFFFFFFC0, v61  }
0x15f: {  	v3 =	vor.u32 v3, v4  }
0x160: {  	v4 =	vperm.xlane v3, v0;
	_ =	sdelay $0x1  }
0x161: {  	v4 =	vadd.s32 v1, v4;
	_ =	sdelay $0x3  }
0x162: {  	s15 =	simm.s32 $0x4100  }
0x163: {  	[tilespmem:s15], [sflag:$0x1] =	stream.indirect_vreg.gather [hbm4b:s3+s2], $0x80, v4, vm0, $0xb8;
	[tilespmem:$0x10100] =	vst v63  }
0x164: {  	s16 =	simm.s32 $0x4900;
	v3 =	vperm.xlane v3, v2  }
0x165: {  	[tilespmem:s16], [sflag:$0x1] =	stream.indirect_vreg.gather [hbm4b:s4+s2], $0x80, v4, vm0, $0xb8;
	[tilespmem:$0x10100] =	vst v63  }
0x166: {  	s1 =	simm.s32 $0x5100;
	v3 =	vadd.s32 v1, v3  }
0x167: {  	[tilespmem:s1], [sflag:$0x1] =	stream.indirect_vreg.gather [hbm4b:s5+s2], $0x80, v4, vm0, $0xb8;
	[tilespmem:$0x10100] =	vst v63  }
0x168: {  	s0 =	simm.s32 $0x5900  }
0x169: {  	[tilespmem:s0], [sflag:$0x1] =	stream.indirect_vreg.gather [hbm4b:s6+s2], $0x80, v4, vm0, $0xb8;
	[tilespmem:$0x10100] =	vst v63  }
0x16a: {  	s9 =	simm.s32 $0x6100  }
0x16b: {  	[tilespmem:s9], [sflag:$0x1] =	stream.indirect_vreg.gather [hbm4b:s3+s2], $0x80, v3, vm0, $0xb8;
	[tilespmem:$0x10100] =	vst v63  }
0x16c: {  	s10 =	simm.s32 $0x6900  }
0x16d: {  	[tilespmem:s10], [sflag:$0x1] =	stream.indirect_vreg.gather [hbm4b:s4+s2], $0x80, v3, vm0, $0xb8;
	[tilespmem:$0x10100] =	vst v63  }
0x16e: {  	s11 =	simm.s32 $0x7100  }
0x16f: {  	[tilespmem:s11], [sflag:$0x1] =	stream.indirect_vreg.gather [hbm4b:s5+s2], $0x80, v3, vm0, $0xb8;
	[tilespmem:$0x10100] =	vst v63  }
0x170: {  	s15 =	simm.s32 $0x7900  }
0x171: {  	[tilespmem:s15], [sflag:$0x1] =	stream.indirect_vreg.gather [hbm4b:s6+s2], $0x80, v3, vm0, $0xb8;
	[tilespmem:$0x10100] =	vst v63  }
0x172: {  	v3 =	vld [tilespmem:$0xE0];
	_ =	sdelay $0x4  }
0x173: {  	v62 =	vshll.u32 v3, $0x3  }
0x174: {  	v3 =	vand.u32 $0x7, v3;
	v4 =	vand.u32 $0xFFFFFFC0, v62  }
0x175: {  	v3 =	vor.u32 v3, v4  }
0x176: {  	v4 =	vperm.xlane v3, v0;
	_ =	sdelay $0x1  }
0x177: {  	v4 =	vadd.s32 v1, v4;
	_ =	sdelay $0x4  }
0x178: {  	[tilespmem:s25], [sflag:$0x2] =	stream.indirect_vreg.gather [hbm4b:s3+s2], $0x80, v4, vm0, $0xb8;
	[tilespmem:$0x10100] =	vst v63  }
0x179: {  	s14 =	simm.s32 $0x8900;
	v3 =	vperm.xlane v3, v2  }
0x17a: {  	[tilespmem:s14], [sflag:$0x2] =	stream.indirect_vreg.gather [hbm4b:s4+s2], $0x80, v4, vm0, $0xb8;
	[tilespmem:$0x10100] =	vst v63  }
0x17b: {  	s12 =	simm.s32 $0x9100;
	v3 =	vadd.s32 v1, v3  }
0x17c: {  	[tilespmem:s12], [sflag:$0x2] =	stream.indirect_vreg.gather [hbm4b:s5+s2], $0x80, v4, vm0, $0xb8;
	[tilespmem:$0x10100] =	vst v63  }
0x17d: {  	s13 =	simm.s32 $0x9900  }
0x17e: {  	[tilespmem:s13], [sflag:$0x2] =	stream.indirect_vreg.gather [hbm4b:s6+s2], $0x80, v4, vm0, $0xb8;
	[tilespmem:$0x10100] =	vst v63  }
0x17f: {  	s16 =	simm.s32 $0xA100  }
0x180: {  	[tilespmem:s16], [sflag:$0x2] =	stream.indirect_vreg.gather [hbm4b:s3+s2], $0x80, v3, vm0, $0xb8;
	[tilespmem:$0x10100] =	vst v63  }
0x181: {  	s26 =	simm.s32 $0xA900  }
0x182: {  	[tilespmem:s26], [sflag:$0x2] =	stream.indirect_vreg.gather [hbm4b:s4+s2], $0x80, v3, vm0, $0xb8;
	[tilespmem:$0x10100] =	vst v63  }
0x183: {  	s28 =	simm.s32 $0xB100  }
0x184: {  	[tilespmem:s28], [sflag:$0x2] =	stream.indirect_vreg.gather [hbm4b:s5+s2], $0x80, v3, vm0, $0xb8;
	[tilespmem:$0x10100] =	vst v63  }
0x185: {  	s17 =	simm.s32 $0xB900  }
0x186: {  	[tilespmem:s17], [sflag:$0x2] =	stream.indirect_vreg.gather [hbm4b:s6+s2], $0x80, v3, vm0, $0xb8;
	[tilespmem:$0x10100] =	vst v63  }
0x187: {  	v3 =	vld [tilespmem:$0xF0];
	_ =	sdelay $0x4  }
0x188: {  	v63 =	vshll.u32 v3, $0x3  }
0x189: {  	v3 =	vand.u32 $0x7, v3;
	v4 =	vand.u32 $0xFFFFFFC0, v63  }
0x18a: {  	v3 =	vor.u32 v3, v4  }
0x18b: {  	v4 =	vperm.xlane v3, v0;
	_ =	sdelay $0x1  }
0x18c: {  	v4 =	vadd.s32 v1, v4;
	_ =	sdelay $0x3  }
0x18d: {  	s20 =	simm.s32 $0xC100  }
0x18e: {  	[tilespmem:s20], [sflag:$0x2] =	stream.indirect_vreg.gather [hbm4b:s3+s2], $0x80, v4, vm0, $0xb8;
	[tilespmem:$0x10100] =	vst v63  }
0x18f: {  	s26 =	simm.s32 $0xC900;
	v3 =	vperm.xlane v3, v2  }
0x190: {  	[tilespmem:s26], [sflag:$0x2] =	stream.indirect_vreg.gather [hbm4b:s4+s2], $0x80, v4, vm0, $0xb8;
	[tilespmem:$0x10100] =	vst v63  }
0x191: {  	s28 =	simm.s32 $0xD100;
	v3 =	vadd.s32 v1, v3  }
0x192: {  	[tilespmem:s28], [sflag:$0x2] =	stream.indirect_vreg.gather [hbm4b:s5+s2], $0x80, v4, vm0, $0xb8;
	[tilespmem:$0x10100] =	vst v63  }
0x193: {  	s29 =	simm.s32 $0xD900  }
0x194: {  	[tilespmem:s29], [sflag:$0x2] =	stream.indirect_vreg.gather [hbm4b:s6+s2], $0x80, v4, vm0, $0xb8;
	[tilespmem:$0x10100] =	vst v63  }
0x195: {  	s21 =	simm.s32 $0xE100  }
0x196: {  	[tilespmem:s21], [sflag:$0x2] =	stream.indirect_vreg.gather [hbm4b:s3+s2], $0x80, v3, vm0, $0xb8;
	[tilespmem:$0x10100] =	vst v63  }
0x197: {  	s22 =	simm.s32 $0xE900  }
0x198: {  	[tilespmem:s22], [sflag:$0x2] =	stream.indirect_vreg.gather [hbm4b:s4+s2], $0x80, v3, vm0, $0xb8;
	[tilespmem:$0x10100] =	vst v63  }
0x199: {  	s24 =	simm.s32 $0xF100  }
0x19a: {  	[tilespmem:s24], [sflag:$0x2] =	stream.indirect_vreg.gather [hbm4b:s5+s2], $0x80, v3, vm0, $0xb8;
	[tilespmem:$0x10100] =	vst v63  }
0x19b: {  	s30 =	simm.s32 $0xF900  }
0x19c: {  	[tilespmem:s30], [sflag:$0x2] =	stream.indirect_vreg.gather [hbm4b:s6+s2], $0x80, v3, vm0, $0xb8;
	[tilespmem:$0x10100] =	vst v63  }
0x19d: {  	_ =	swait.ge [sflag:s18], $0x8000  }
0x19e: {  	[sflag:s18] =	ssyncset.done $0x0  }
0x19f: {  	s30 =	rddreg [dreg:$0xb];
	[sflag:s18] =	ssyncadd.s32 $0xFFFF8000  }
0x1a0: {  	[hbm4b:s30+s2] =	stream.linear.scatter [tilespmem:s23], [sflag:$0x3], $0x8000, $0x38;
	[tilespmem:$0x10100] =	vst v63  }
0x1a1: {  	_ =	swait.ge [sflag:s8], $0x8000  }
0x1a2: {  	[sflag:s8] =	ssyncset.done $0x0  }
0x1a3: {  	[sflag:s8] =	ssyncadd.s32 $0xFFFF8000  }
0x1a4: {  	_ =	swait.ge [sflag:s19], $0x8000  }
0x1a5: {  	p0 =	sne.s32 s7, $0x1;
	[sflag:s19] =	ssyncset.done $0x0  }
.Ltmp0:
0x1a6: {  	s31 =	rddreg [dreg:$0xc];
	[sflag:s19] =	ssyncadd.s32 $0xFFFF8000;
	(pc) =	sbr.rel @p0 .LBB2_1-.Ltmp0, $4  }
0x1a7: {  	[hbm4b:s31+s2] =	stream.linear.scatter [tilespmem:s25], [sflag:$0x3], $0x8000, $0x38;
	[tilespmem:$0x10100] =	vst v63  }
0x1a8: {  	_ =	swait.ge [sflag:s8], $0x8000  }
0x1a9: {  	[sflag:s8] =	ssyncset.done $0x0  }
0x1aa: {  	s7 =	sadd.s32 $0xFFFFFFFF, s7;
	[sflag:s8] =	ssyncadd.s32 $0xFFFF8000  }
0x1ab: {  	_ =	sfence.sel $0x180000  }
0x1ac: {  	[bflag:$0x0] =	sbarrier.arrive $0xFFFF  }
0x1ad: {  	_ =	strace $0x9000004A  }
0x1ae: {  	s0 =	stileid.u32;
	[bflag:$0x2] =	sbarrier.arrive $0xFFFF  }
0x1af: {  	p0 =	sne.s32 s0, $0x0;
	s0 =	rddreg [dreg:$0x2]  }
0x1b0: {  	s0 =	sadd.s32 @!p0 $0x100000, s0  }
0x1b1: {  	[sflag:s0] =	ssyncadd.tile.s32 @!p0 $0x1;
	_ =	shalt  }
.Lfunc_end2:
_tile_overlayer_lowered:
.L_overlay_start_2:
0x1b2: {  	(tag) =	ssettag $0x2  }
0x1b3: {  	s0 =	rddreg [dreg:$0x0];
	s2 =	stileid.u32  }
0x1b4: {  	s1 =	rddreg [dreg:$0x1];
	p0 =	sne.s32 s2, $0x0  }
0x1b5: {  	s3 =	rddreg [dreg:$0x2];
	[bflag:$0x3] =	sbarrier.arrive $0xFFFF;
	s2 =	simm.s32 @!p0 $0x1C03  }
0x1b6: {  	[timem:s3], [sflag:s2] =	dma.local @!p0 [hbm:s0], s1  }
0x1b7: {  	s0 =	simm.s32 @!p0 $0x3  }
0x1b8: {  	_ =	swait.ge @!p0 [sflag:s0], s1  }
0x1b9: {  	s1 =	ssub.s32 @!p0 $0x0, s1;
	[sflag:s0] =	ssyncset.done @!p0 $0x0  }
0x1ba: {  	[sflag:s0] =	ssyncadd.s32 @!p0 s1  }
0x1bb: {  	[bflag:$0x3] =	sbarrier.arrive $0xFFFF  }
0x1bc: {  	_ =	shalt  }

// kernel: kernel.8.cloned.1.call-start
scs
__scs_entry_jumppad:
0x0: {  	(pc) =	sbr.rel $0x88, $3  }
0x1: {  	(tag) =	ssettag $0x0;
	lr =	simm.s32 $0x1  }
0x2: {  	[smem:$0x3F9B] =	sst lr;
	_ =	strace $0xD0000000  }
0x3: {  	_ = 	snop  }
0x4: {  	_ = 	snop  }
0x5: {  	_ = 	snop  }
0x6: {  	_ = 	snop  }
0x7: {  	_ = 	snop  }
__scs_overlays_trampoline_lowered:
0x8: {  	[smem:$0x3FAA] =	sst s0  }
0x9: {  	[smem:$0x3FAB] =	sst s1  }
0xa: {  	[smem:$0x3FAC] =	sst s2  }
0xb: {  	[smem:$0x3FAD] =	sst s3  }
0xc: {  	[smem:$0x3FAE] =	sst s4  }
0xd: {  	[smem:$0x3FAF] =	sst s5  }
0xe: {  	[smem:$0x3FB0] =	sst s6  }
0xf: {  	[smem:$0x3FB1] =	sst s7  }
0x10: {  	[smem:$0x3FB2] =	sst s8  }
0x11: {  	[smem:$0x3FB3] =	sst s9;
	s0 =	simm.s32 @!p0 $0x0  }
0x12: {  	s1 =	sld [smem:$0x3F99];
	s0 =	simm.s32 @p0 $0x1  }
0x13: {  	[smem:$0x3FB4] =	sst s0;
	s0 =	simm.s32 @!p1 $0x0  }
0x14: {  	s2 =	sld [smem:$0x3F98];
	s0 =	simm.s32 @p1 $0x1  }
0x15: {  	[smem:$0x3FB5] =	sst s0;
	s0 =	simm.s32 @!p2 $0x0  }
0x16: {  	s3 =	sld [smem:$0x3FDB];
	s0 =	simm.s32 @p2 $0x1  }
0x17: {  	s4 =	simm.s32 $0x1BF5;
	[smem:$0x3FB7] =	sst s0  }
0x18: {  	s0 =	sld [smem:$0x3F9A];
	_ =	swait.ge [sflag:s4], $0x0  }
0x19: {  	s7 =	sld [smem:$0x3F9B]  }
0x1a: {  	s8 =	sadd.s32 $0xFFFFE003, lr  }
0x1b: {  	s9 =	sadd.s32 $0xFFFFFEF7, lr;
	s5 =	simm.s32 $0xFFFFFFFF;
	p2 =	slt.u32 s8, $0xFFFFF086  }
0x1c: {  	p1 =	slt.u32 s9, $0xF7A;
	s5 =	simm.s32 @!p2 $0x0  }
0x1d: {  	s5 =	simm.s32 @p1 $0x1;
	p0 =	seq.s32 s7, s2  }
0x1e: {  	s7 =	smul.u32 @!p0 $0xF7A, s2;
	p2 =	seq.s32 @!p0 s5, $0x0  }
0x1f: {  	s9 =	smul.u32 $0xF7A, s1;
	s8 =	simm.s32 @!p0 $0x1BF5;
	p2 =	por !p2, p0  }
0x20: {  	[sflag:s8] =	ssyncset.s32 @!p0 $0xFFFFF086;
	s6 =	sadd.s32 @!p0 s3, s7;
	s7 =	simm.s32 @!p0 $0x108  }
0x21: {  	s3 =	sadd.s32 s3, s9;
	s6 =	sadd.s32 @!p0 $0x88, s6;
	s7 =	simm.s32 @p2 $0x1082  }
0x22: {  	[simem:s7], [sflag:s8] =	dma.local @!p0 [hbm:s6], $0xF7A  }
0x23: {  	s9 =	sor.u32 $0xD0000000, s2;
	s6 =	simm.s32 $0x108;
	_ =	swait.ge @!p0 [sflag:s8], $0x0  }
0x24: {  	s3 =	sadd.s32 $0x88, s3;
	s6 =	simm.s32 @!p1 $0x1082;
	[sflag:s4] =	ssyncset.s32 $0xFFFFF086  }
0x25: {  	[simem:s6], [sflag:s4] =	dma.local [hbm:s3], $0xF7A  }
0x26: {  	[smem:$0x3F9B] =	sst s1;
	(tag) =	ssettag s2;
	_ =	strace s9  }
0x27: {  	s1 =	sld [smem:$0x3FAB]  }
0x28: {  	s2 =	sld [smem:$0x3FAC]  }
0x29: {  	s4 =	sld [smem:$0x3FAE]  }
0x2a: {  	p0 =	seq.s32 s5, $0x0;
	s5 =	sld [smem:$0x3FAF]  }
0x2b: {  	s6 =	sld [smem:$0x3FB0]  }
0x2c: {  	s7 =	sld [smem:$0x3FB1]  }
0x2d: {  	s3 =	simm.s32 $0x108;
	s8 =	sld [smem:$0x3FB2]  }
0x2e: {  	s3 =	simm.s32 @!p0 $0x1082;
	s9 =	sld [smem:$0x3FB3]  }
0x2f: {  	lr =	sadd.s32 s0, s3;
	s0 =	sld [smem:$0x3FAA]  }
0x30: {  	s3 =	sld [smem:$0x3FAD]  }
0x31: {  	[smem:$0x3FB6] =	sst s10  }
0x32: {  	s10 =	sld [smem:$0x3FB4];
	_ =	sdelay $0x3  }
0x33: {  	p0 =	seq.s32 s10, $0x1;
	s10 =	sld [smem:$0x3FB6];
	_ =	sdelay $0x3  }
0x34: {  	[smem:$0x3FB6] =	sst s10  }
0x35: {  	s10 =	sld [smem:$0x3FB5];
	_ =	sdelay $0x3  }
0x36: {  	p1 =	seq.s32 s10, $0x1;
	s10 =	sld [smem:$0x3FB6];
	_ =	sdelay $0x3  }
0x37: {  	[smem:$0x3FB6] =	sst s10  }
0x38: {  	s10 =	sld [smem:$0x3FB7]  }
0x39: {  	_ = 	snop;
	(pc) =	sbr.ind lr, $3  }
0x3a: {  	_ = 	snop  }
0x3b: {  	_ = 	snop  }
0x3c: {  	p2 =	seq.s32 s10, $0x1;
	s10 =	sld [smem:$0x3FB6]  }
0x3d: {  	_ =	shalt  }
0x3e: {  	_ =	shalt  }
0x3f: {  	_ =	shalt  }
0x40: {  	_ =	shalt  }
0x41: {  	_ =	shalt  }
0x42: {  	_ =	shalt  }
0x43: {  	_ =	shalt  }
0x44: {  	_ =	shalt  }
0x45: {  	_ =	shalt  }
0x46: {  	_ =	shalt  }
0x47: {  	_ =	shalt  }
0x48: {  	_ =	shalt  }
0x49: {  	_ =	shalt  }
0x4a: {  	_ =	shalt  }
0x4b: {  	_ =	shalt  }
0x4c: {  	_ =	shalt  }
0x4d: {  	_ =	shalt  }
0x4e: {  	_ =	shalt  }
0x4f: {  	_ =	shalt  }
0x50: {  	_ =	shalt  }
0x51: {  	_ =	shalt  }
0x52: {  	_ =	shalt  }
0x53: {  	_ =	shalt  }
0x54: {  	_ =	shalt  }
0x55: {  	_ =	shalt  }
0x56: {  	_ =	shalt  }
0x57: {  	_ =	shalt  }
0x58: {  	_ =	shalt  }
0x59: {  	_ =	shalt  }
0x5a: {  	_ =	shalt  }
0x5b: {  	_ =	shalt  }
0x5c: {  	_ =	shalt  }
0x5d: {  	_ =	shalt  }
0x5e: {  	_ =	shalt  }
0x5f: {  	_ =	shalt  }
0x60: {  	_ =	shalt  }
0x61: {  	_ =	shalt  }
0x62: {  	_ =	shalt  }
0x63: {  	_ =	shalt  }
0x64: {  	_ =	shalt  }
0x65: {  	_ =	shalt  }
0x66: {  	_ =	shalt  }
0x67: {  	_ =	shalt  }
0x68: {  	_ =	shalt  }
0x69: {  	_ =	shalt  }
0x6a: {  	_ =	shalt  }
0x6b: {  	_ =	shalt  }
0x6c: {  	_ =	shalt  }
0x6d: {  	_ =	shalt  }
0x6e: {  	_ =	shalt  }
0x6f: {  	_ =	shalt  }
0x70: {  	_ =	shalt  }
0x71: {  	_ =	shalt  }
0x72: {  	_ =	shalt  }
0x73: {  	_ =	shalt  }
0x74: {  	_ =	shalt  }
0x75: {  	_ =	shalt  }
0x76: {  	_ =	shalt  }
0x77: {  	_ =	shalt  }
0x78: {  	_ =	shalt  }
0x79: {  	_ =	shalt  }
0x7a: {  	_ =	shalt  }
0x7b: {  	_ =	shalt  }
0x7c: {  	_ =	shalt  }
0x7d: {  	_ =	shalt  }
0x7e: {  	_ =	shalt  }
0x7f: {  	_ =	shalt  }
0x80: {  	_ =	shalt  }
0x81: {  	_ =	shalt  }
0x82: {  	_ =	shalt  }
0x83: {  	_ =	shalt  }
0x84: {  	_ =	shalt  }
0x85: {  	_ =	shalt  }
0x86: {  	_ =	shalt  }
0x87: {  	_ =	shalt  }
.Lfunc_end0:
.L_simem_size_0:
called_computation_lowered:
.L_overlay_start_0:
0x88: {  	s2 =	sld [smem:$0x3FD9]  }
0x89: {  	s3 =	sld [smem:$0x3FFE];
	_ =	sdelay $0x1  }
0x8a: {  	s1 =	srdreg.scid  }
0x8b: {  	s0 =	sand.u32 $0x1, s1  }
0x8c: {  	s14 =	sshll.u32 s0, $0xA;
	s2 =	sadd.s32 s3, s2  }
0x8d: {  	s2 =	sadd.s32 s2, s14  }
0x8e: {  	[smem:$0x3FC2] =	sst s2  }
0x8f: {  	_ = 	snop  }
0x90: {  	s2 =	sld [smem:$0x3FD0];
	_ =	sdelay $0x2  }
0x91: {  	s15 =	simm.s32 $0xA;
	s4 =	simm.s32 $0x10  }
0x92: {  	[smem:s4], [sflag:s15] =	dma.local [hbm:s2], $0x1  }
0x93: {  	_ =	swait.eq [sflag:s15], $0x1  }
0x94: {  	[sflag:s15] =	ssyncset.done $0x0  }
0x95: {  	[sflag:s15] =	ssyncadd.s32 $0xFFFFFFFF  }
0x96: {  	s16 =	sld [smem:$0x10];
	(tm) =	ssettm $0x1  }
0x97: {  	s17 =	sld [smem:$0x3FFB];
	_ =	sdelay $0x3  }
0x98: {  	_ =	strace s17  }
0x99: {  	s3 =	sld [smem:$0x3FFC];
	_ =	sdelay $0x3  }
0x9a: {  	_ =	strace s3  }
0x9b: {  	s3 =	sld [smem:$0x3FFD];
	_ =	sdelay $0x3  }
0x9c: {  	_ =	strace s3  }
0x9d: {  	_ =	strace $0x8FFFFFFF  }
0x9e: {  	s18 =	sld [smem:$0x3FDB];
	_ =	sdelay $0x1  }
0x9f: {  	s19 =	simm.s32 $_scs_section_size  }
0xa0: {  	s5 =	simm.s32 $_size__tile_overlayer_lowered;
	s6 =	simm.s32 $_tile_overlayer_lowered  }
0xa1: {  	s22 =	simm.s32 $0x1BFF;
	s21 =	sshll.u32 s6, $0x1;
	s3 =	sadd.s32 s19, s18  }
0xa2: {  	s7 =	simm.s32 $0x0;
	s20 =	sshll.u32 s5, $0x1;
	s5 =	sadd.s32 s21, s3  }
0xa3: {  	[timem:s7], [sflag:s22] =	dma.local [hbm:s5], s20  }
0xa4: {  	_ =	swait.ge [sflag:s22], s20  }
0xa5: {  	s4 =	ssub.s32 $0x0, s20;
	[sflag:s22] =	ssyncset.done $0x0  }
0xa6: {  	[sflag:s22] =	ssyncadd.s32 s4;
	_ =	sdelay $0x1  }
0xa7: {  	s23 =	simm.s32 $0x1B8B  }
0xa8: {  	_ =	swait.ge [sflag:s23], $0x1  }
0xa9: {  	[sflag:s23] =	ssyncset.done $0x0  }
0xaa: {  	s25 =	simm.s32 $0x1B8E;
	s24 =	sld [smem:$0x3FFE];
	[sflag:s23] =	ssyncadd.s32 $0xFFFFFFFF  }
0xab: {  	s26 =	simm.s32 $execute0_lowered;
	[smem:$0x3FD2] =	sst s25  }
0xac: {  	s5 =	sshll.u32 s26, $0x1;
	_ =	strace $0x80000046;
	[dreg:$0x1] =	wrdreg $0xFFFFFFFF  }
0xad: {  	s28 =	simm.s32 $_size_execute0_lowered;
	s3 =	sadd.s32 s3, s5;
	[dreg:$0x0] =	wrdreg $0x0  }
0xae: {  	s5 =	sshll.u32 s28, $0x1;
	[dreg:$0x2] =	wrdreg s3  }
0xaf: {  	[dreg:$0x3] =	wrdreg s5  }
0xb0: {  	[dreg:$0x4] =	wrdreg $0xC0  }
0xb1: {  	_ =	task [dreg:s7], $0x5FFFF  }
0xb2: {  	[dreg:$0x1] =	wrdreg $0xFFFFFFFF  }
0xb3: {  	[dreg:$0x0] =	wrdreg $0x60  }
0xb4: {  	[dreg:$0x2] =	wrdreg s16  }
0xb5: {  	[dreg:$0x3] =	wrdreg s24  }
0xb6: {  	[dreg:$0x4] =	wrdreg $0x9  }
0xb7: {  	_ =	task.clear_ibuf [dreg:s7], $0x5FFFF;
	_ =	strace $0x90000046  }
0xb8: {  	s29 =	simm.s32 $0x9;
	_ =	strace $0x80000048  }
0xb9: {  	_ =	swait.ge [sflag:s29], $0x1  }
0xba: {  	[sflag:s29] =	ssyncadd.s32 $0xFFFFFFFF  }
0xbb: {  	_ =	strace $0x90000048  }
0xbc: {  	_ =	sfence  }
0xbd: {  	s30 =	sld [smem:$0x0];
	_ =	sdelay $0x2  }
0xbe: {  	s31 =	sshll.u32 s1, $0xD;
	s1 =	sshrl.u32 s1, $0x2  }
0xbf: {  	s3 =	sand.u32 $0x4000, s31;
	s1 =	sadd.s32 s1, s30  }
0xc0: {  	s0 =	sor.u32 s3, s0;
	s1 =	sshll.u32 s1, $0x11  }
0xc1: {  	s0 =	sor.u32 s1, s0  }
0xc2: {  	s0 =	sadd.s32 $0x8F2B, s0  }
0xc3: {  	[sflag:s0] =	ssyncadd.remote.s32 $0x1  }
0xc4: {  	_ =	sfence.sel $0xFFFF  }
0xc5: {  	[dreg:$0x0] =	wrdreg $0xFFFFFFFF;
	(pc) =	sbr.abs _section_cstart, $3  }
0xc6: {  	[dreg:$0x1] =	wrdreg $0xFFFFFFFF  }
0xc7: {  	_ =	task.clear_ibuf [dreg:s7], $0x2FFFF;
	_ =	strace $0x9FFFFFFF  }
0xc8: {  	(tm) =	ssettm $0x7FFFFFFF  }
0xc9: {  	_ =	shalt  }
tec
execute0_lowered:
.L_overlay_start_1:
0x0: {  	(tag) =	ssettag $0x1  }
0x1: {  	s0 =	rddreg [dreg:$0x0]  }
0x2: {  	s1 =	rddreg [dreg:$0x1]  }
0x3: {  	s3 =	srdreg.scid;
	s5 =	stileid.u32;
	s2 =	simm.s32 $0x0  }
0x4: {  	s29 =	simm.s32 $0x900;
	s30 =	simm.s32 $0x1100;
	s31 =	simm.s32 $0x1900  }
0x5: {  	s10 =	simm.s32 $0x3100;
	s11 =	simm.s32 $0x3900;
	s12 =	simm.s32 $0x4100  }
0x6: {  	s13 =	simm.s32 $0x4900;
	s14 =	simm.s32 $0x5100;
	s15 =	simm.s32 $0x5900  }
0x7: {  	s16 =	simm.s32 $0x6100;
	s17 =	simm.s32 $0x6900;
	s18 =	simm.s32 $0x7100  }
0x8: {  	s19 =	simm.s32 $0x7900;
	s20 =	simm.s32 $0x8100;
	s21 =	simm.s32 $0x8900  }
0x9: {  	s22 =	simm.s32 $0x9100;
	s4 =	sand.u32 $0x1, s3;
	s25 =	sshll.u32 s5, $0x1  }
0xa: {  	s23 =	simm.s32 $0x9900;
	s24 =	simm.s32 $0xA100;
	s5 =	sor.u32 s4, s25  }
0xb: {  	[smem:$0x7FF] =	sst s2;
	s3 =	sadd.s32 $0x21800, s1;
	s6 =	smul.u32 $0x14, s5  }
0xc: {  	s7 =	sadd.s32 $0xA1C00, s1;
	s4 =	ssub.s32 $0x2, s4;
	s8 =	smul.u32 $0x28000, s5  }
0xd: {  	_ =	strace $0x80000047;
	s9 =	sshrl.u32 s4, $0x1;
	s5 =	smul.u32 $0x5000, s5  }
0xe: {  	s25 =	simm.s32 $0xA900;
	s9 =	ssub.s32 s4, s9;
	s4 =	sadd.s32 $0x21900, s1  }
0xf: {  	s0 =	sadd.s32 s0, s6;
	s26 =	sshrl.u32 s8, $0x3;
	s28 =	sadd.s32 s7, s5  }
0x10: {  	s5 =	sadd.s32 $0x21A00, s1;
	s6 =	sadd.s32 $0x21B00, s1;
	s8 =	simm.s32 $0x2  }
0x11: {  	v2 =	vlaneseq.u32;
	s1 =	simm.s32 $0x2900;
	[dreg:$0x3] =	wrdreg s0;
	s0 =	sadd.s32 s7, s26  }
0x12: {  	vm0 =	vmmov $0xffff;
	v1 =	vshrl.u32 v2, $0x3;
	[dreg:$0x4] =	wrdreg s28;
	s7 =	smax.u32 s9, $0x1;
	s0 =	sadd.s32 $0x2800, s0  }
0x13: {  	v0 =	vand.u32 $0x7, v2;
	v2 =	vor.u32 $0x8, v2;
	v1 =	vmul.u32 $0x8, v1;
	s26 =	simm.s32 $0x1;
	s9 =	simm.s32 $0xB100;
	[dreg:$0x5] =	wrdreg s0  }
.LBB2_1:
0x14: {  	s28 =	rddreg [dreg:$0x3]  }
0x15: {  	[tilespmem:s2], [sflag:$0x2] =	stream.linear.gather [hbm4b:s28+s2], $0xA0, $0x38;
	[tilespmem:$0x14100] =	vst v63  }
0x16: {  	_ =	swait.ge [sflag:s8], $0xA0  }
0x17: {  	[sflag:s8] =	ssyncset.done $0x0  }
0x18: {  	[sflag:s8] =	ssyncadd.s32 $0xFFFFFF60  }
0x19: {  	v3 =	vld [tilespmem:$0x0];
	_ =	sdelay $0x4  }
0x1a: {  	v4 =	vshll.u32 v3, $0x3  }
0x1b: {  	v3 =	vand.u32 $0x7, v3;
	v4 =	vand.u32 $0xFFFFFFC0, v4  }
0x1c: {  	v3 =	vor.u32 v3, v4  }
0x1d: {  	v4 =	vperm.xlane v3, v0;
	_ =	sdelay $0x1  }
0x1e: {  	v4 =	vadd.s32 v1, v4;
	_ =	sdelay $0x3  }
0x1f: {  	s0 =	simm.s32 $0x100  }
0x20: {  	[tilespmem:s0], [sflag:$0x1] =	stream.indirect_vreg.gather [hbm4b:s3+s2], $0x80, v4, vm0, $0xb8;
	[tilespmem:$0x14100] =	vst v63  }
0x21: {  	v3 =	vperm.xlane v3, v2  }
0x22: {  	[tilespmem:s29], [sflag:$0x1] =	stream.indirect_vreg.gather [hbm4b:s4+s2], $0x80, v4, vm0, $0xb8;
	[tilespmem:$0x14100] =	vst v63  }
0x23: {  	v3 =	vadd.s32 v1, v3  }
0x24: {  	[tilespmem:s30], [sflag:$0x1] =	stream.indirect_vreg.gather [hbm4b:s5+s2], $0x80, v4, vm0, $0xb8;
	[tilespmem:$0x14100] =	vst v63  }
0x25: {  	_ = 	snop  }
0x26: {  	[tilespmem:s31], [sflag:$0x1] =	stream.indirect_vreg.gather [hbm4b:s6+s2], $0x80, v4, vm0, $0xb8;
	[tilespmem:$0x14100] =	vst v63  }
0x27: {  	s28 =	simm.s32 $0x2100  }
0x28: {  	[tilespmem:s28], [sflag:$0x1] =	stream.indirect_vreg.gather [hbm4b:s3+s2], $0x80, v3, vm0, $0xb8;
	[tilespmem:$0x14100] =	vst v63  }
0x29: {  	_ = 	snop  }
0x2a: {  	[tilespmem:s1], [sflag:$0x1] =	stream.indirect_vreg.gather [hbm4b:s4+s2], $0x80, v3, vm0, $0xb8;
	[tilespmem:$0x14100] =	vst v63  }
0x2b: {  	_ = 	snop  }
0x2c: {  	[tilespmem:s10], [sflag:$0x1] =	stream.indirect_vreg.gather [hbm4b:s5+s2], $0x80, v3, vm0, $0xb8;
	[tilespmem:$0x14100] =	vst v63  }
0x2d: {  	_ = 	snop  }
0x2e: {  	[tilespmem:s11], [sflag:$0x1] =	stream.indirect_vreg.gather [hbm4b:s6+s2], $0x80, v3, vm0, $0xb8;
	[tilespmem:$0x14100] =	vst v63  }
0x2f: {  	v3 =	vld [tilespmem:$0x10];
	_ =	sdelay $0x4  }
0x30: {  	v55 =	vshll.u32 v3, $0x3  }
0x31: {  	v3 =	vand.u32 $0x7, v3;
	v4 =	vand.u32 $0xFFFFFFC0, v55  }
0x32: {  	v3 =	vor.u32 v3, v4  }
0x33: {  	v4 =	vperm.xlane v3, v0;
	_ =	sdelay $0x1  }
0x34: {  	v4 =	vadd.s32 v1, v4;
	_ =	sdelay $0x4  }
0x35: {  	[tilespmem:s12], [sflag:$0x1] =	stream.indirect_vreg.gather [hbm4b:s3+s2], $0x80, v4, vm0, $0xb8;
	[tilespmem:$0x14100] =	vst v63  }
0x36: {  	v3 =	vperm.xlane v3, v2  }
0x37: {  	[tilespmem:s13], [sflag:$0x1] =	stream.indirect_vreg.gather [hbm4b:s4+s2], $0x80, v4, vm0, $0xb8;
	[tilespmem:$0x14100] =	vst v63  }
0x38: {  	v3 =	vadd.s32 v1, v3  }
0x39: {  	[tilespmem:s14], [sflag:$0x1] =	stream.indirect_vreg.gather [hbm4b:s5+s2], $0x80, v4, vm0, $0xb8;
	[tilespmem:$0x14100] =	vst v63  }
0x3a: {  	_ = 	snop  }
0x3b: {  	[tilespmem:s15], [sflag:$0x1] =	stream.indirect_vreg.gather [hbm4b:s6+s2], $0x80, v4, vm0, $0xb8;
	[tilespmem:$0x14100] =	vst v63  }
0x3c: {  	_ = 	snop  }
0x3d: {  	[tilespmem:s16], [sflag:$0x1] =	stream.indirect_vreg.gather [hbm4b:s3+s2], $0x80, v3, vm0, $0xb8;
	[tilespmem:$0x14100] =	vst v63  }
0x3e: {  	_ = 	snop  }
0x3f: {  	[tilespmem:s17], [sflag:$0x1] =	stream.indirect_vreg.gather [hbm4b:s4+s2], $0x80, v3, vm0, $0xb8;
	[tilespmem:$0x14100] =	vst v63  }
0x40: {  	_ = 	snop  }
0x41: {  	[tilespmem:s18], [sflag:$0x1] =	stream.indirect_vreg.gather [hbm4b:s5+s2], $0x80, v3, vm0, $0xb8;
	[tilespmem:$0x14100] =	vst v63  }
0x42: {  	_ = 	snop  }
0x43: {  	[tilespmem:s19], [sflag:$0x1] =	stream.indirect_vreg.gather [hbm4b:s6+s2], $0x80, v3, vm0, $0xb8;
	[tilespmem:$0x14100] =	vst v63  }
0x44: {  	v3 =	vld [tilespmem:$0x20];
	_ =	sdelay $0x4  }
0x45: {  	v56 =	vshll.u32 v3, $0x3  }
0x46: {  	v3 =	vand.u32 $0x7, v3;
	v4 =	vand.u32 $0xFFFFFFC0, v56  }
0x47: {  	v3 =	vor.u32 v3, v4  }
0x48: {  	v4 =	vperm.xlane v3, v0;
	_ =	sdelay $0x1  }
0x49: {  	v4 =	vadd.s32 v1, v4;
	_ =	sdelay $0x4  }
0x4a: {  	[tilespmem:s20], [sflag:$0x1] =	stream.indirect_vreg.gather [hbm4b:s3+s2], $0x80, v4, vm0, $0xb8;
	[tilespmem:$0x14100] =	vst v63  }
0x4b: {  	v3 =	vperm.xlane v3, v2  }
0x4c: {  	[tilespmem:s21], [sflag:$0x1] =	stream.indirect_vreg.gather [hbm4b:s4+s2], $0x80, v4, vm0, $0xb8;
	[tilespmem:$0x14100] =	vst v63  }
0x4d: {  	v3 =	vadd.s32 v1, v3  }
0x4e: {  	[tilespmem:s22], [sflag:$0x1] =	stream.indirect_vreg.gather [hbm4b:s5+s2], $0x80, v4, vm0, $0xb8;
	[tilespmem:$0x14100] =	vst v63  }
0x4f: {  	_ = 	snop  }
0x50: {  	[tilespmem:s23], [sflag:$0x1] =	stream.indirect_vreg.gather [hbm4b:s6+s2], $0x80, v4, vm0, $0xb8;
	[tilespmem:$0x14100] =	vst v63  }
0x51: {  	_ = 	snop  }
0x52: {  	[tilespmem:s24], [sflag:$0x1] =	stream.indirect_vreg.gather [hbm4b:s3+s2], $0x80, v3, vm0, $0xb8;
	[tilespmem:$0x14100] =	vst v63  }
0x53: {  	_ = 	snop  }
0x54: {  	[tilespmem:s25], [sflag:$0x1] =	stream.indirect_vreg.gather [hbm4b:s4+s2], $0x80, v3, vm0, $0xb8;
	[tilespmem:$0x14100] =	vst v63  }
0x55: {  	_ = 	snop  }
0x56: {  	[tilespmem:s9], [sflag:$0x1] =	stream.indirect_vreg.gather [hbm4b:s5+s2], $0x80, v3, vm0, $0xb8;
	[tilespmem:$0x14100] =	vst v63  }
0x57: {  	s28 =	simm.s32 $0xB900  }
0x58: {  	[tilespmem:s28], [sflag:$0x1] =	stream.indirect_vreg.gather [hbm4b:s6+s2], $0x80, v3, vm0, $0xb8;
	[tilespmem:$0x14100] =	vst v63  }
0x59: {  	v3 =	vld [tilespmem:$0x30];
	_ =	sdelay $0x4  }
0x5a: {  	v57 =	vshll.u32 v3, $0x3  }
0x5b: {  	v3 =	vand.u32 $0x7, v3;
	v4 =	vand.u32 $0xFFFFFFC0, v57  }
0x5c: {  	v3 =	vor.u32 v3, v4  }
0x5d: {  	v4 =	vperm.xlane v3, v0;
	_ =	sdelay $0x1  }
0x5e: {  	v4 =	vadd.s32 v1, v4;
	_ =	sdelay $0x3  }
0x5f: {  	s28 =	simm.s32 $0xC100  }
0x60: {  	[tilespmem:s28], [sflag:$0x1] =	stream.indirect_vreg.gather [hbm4b:s3+s2], $0x80, v4, vm0, $0xb8;
	[tilespmem:$0x14100] =	vst v63  }
0x61: {  	v3 =	vperm.xlane v3, v2;
	s28 =	simm.s32 $0xC900  }
0x62: {  	[tilespmem:s28], [sflag:$0x1] =	stream.indirect_vreg.gather [hbm4b:s4+s2], $0x80, v4, vm0, $0xb8;
	[tilespmem:$0x14100] =	vst v63  }
0x63: {  	v3 =	vadd.s32 v1, v3;
	s28 =	simm.s32 $0xD100  }
0x64: {  	[tilespmem:s28], [sflag:$0x1] =	stream.indirect_vreg.gather [hbm4b:s5+s2], $0x80, v4, vm0, $0xb8;
	[tilespmem:$0x14100] =	vst v63  }
0x65: {  	s28 =	simm.s32 $0xD900  }
0x66: {  	[tilespmem:s28], [sflag:$0x1] =	stream.indirect_vreg.gather [hbm4b:s6+s2], $0x80, v4, vm0, $0xb8;
	[tilespmem:$0x14100] =	vst v63  }
0x67: {  	s28 =	simm.s32 $0xE100  }
0x68: {  	[tilespmem:s28], [sflag:$0x1] =	stream.indirect_vreg.gather [hbm4b:s3+s2], $0x80, v3, vm0, $0xb8;
	[tilespmem:$0x14100] =	vst v63  }
0x69: {  	s28 =	simm.s32 $0xE900  }
0x6a: {  	[tilespmem:s28], [sflag:$0x1] =	stream.indirect_vreg.gather [hbm4b:s4+s2], $0x80, v3, vm0, $0xb8;
	[tilespmem:$0x14100] =	vst v63  }
0x6b: {  	s28 =	simm.s32 $0xF100  }
0x6c: {  	[tilespmem:s28], [sflag:$0x1] =	stream.indirect_vreg.gather [hbm4b:s5+s2], $0x80, v3, vm0, $0xb8;
	[tilespmem:$0x14100] =	vst v63  }
0x6d: {  	s28 =	simm.s32 $0xF900  }
0x6e: {  	[tilespmem:s28], [sflag:$0x1] =	stream.indirect_vreg.gather [hbm4b:s6+s2], $0x80, v3, vm0, $0xb8;
	[tilespmem:$0x14100] =	vst v63  }
0x6f: {  	v3 =	vld [tilespmem:$0x40];
	_ =	sdelay $0x4  }
0x70: {  	v58 =	vshll.u32 v3, $0x3  }
0x71: {  	v3 =	vand.u32 $0x7, v3;
	v4 =	vand.u32 $0xFFFFFFC0, v58  }
0x72: {  	v3 =	vor.u32 v3, v4  }
0x73: {  	v4 =	vperm.xlane v3, v0;
	_ =	sdelay $0x1  }
0x74: {  	v4 =	vadd.s32 v1, v4;
	_ =	sdelay $0x3  }
0x75: {  	s28 =	simm.s32 $0x10100  }
0x76: {  	[tilespmem:s28], [sflag:$0x1] =	stream.indirect_vreg.gather [hbm4b:s3+s2], $0x80, v4, vm0, $0xb8;
	[tilespmem:$0x14100] =	vst v63  }
0x77: {  	v3 =	vperm.xlane v3, v2;
	s28 =	simm.s32 $0x10900  }
0x78: {  	[tilespmem:s28], [sflag:$0x1] =	stream.indirect_vreg.gather [hbm4b:s4+s2], $0x80, v4, vm0, $0xb8;
	[tilespmem:$0x14100] =	vst v63  }
0x79: {  	v3 =	vadd.s32 v1, v3;
	s28 =	simm.s32 $0x11100  }
0x7a: {  	[tilespmem:s28], [sflag:$0x1] =	stream.indirect_vreg.gather [hbm4b:s5+s2], $0x80, v4, vm0, $0xb8;
	[tilespmem:$0x14100] =	vst v63  }
0x7b: {  	s28 =	simm.s32 $0x11900  }
0x7c: {  	[tilespmem:s28], [sflag:$0x1] =	stream.indirect_vreg.gather [hbm4b:s6+s2], $0x80, v4, vm0, $0xb8;
	[tilespmem:$0x14100] =	vst v63  }
0x7d: {  	s28 =	simm.s32 $0x12100  }
0x7e: {  	[tilespmem:s28], [sflag:$0x1] =	stream.indirect_vreg.gather [hbm4b:s3+s2], $0x80, v3, vm0, $0xb8;
	[tilespmem:$0x14100] =	vst v63  }
0x7f: {  	s28 =	simm.s32 $0x12900  }
0x80: {  	[tilespmem:s28], [sflag:$0x1] =	stream.indirect_vreg.gather [hbm4b:s4+s2], $0x80, v3, vm0, $0xb8;
	[tilespmem:$0x14100] =	vst v63  }
0x81: {  	s28 =	simm.s32 $0x13100  }
0x82: {  	[tilespmem:s28], [sflag:$0x1] =	stream.indirect_vreg.gather [hbm4b:s5+s2], $0x80, v3, vm0, $0xb8;
	[tilespmem:$0x14100] =	vst v63  }
0x83: {  	s28 =	simm.s32 $0x13900  }
0x84: {  	[tilespmem:s28], [sflag:$0x1] =	stream.indirect_vreg.gather [hbm4b:s6+s2], $0x80, v3, vm0, $0xb8;
	[tilespmem:$0x14100] =	vst v63  }
0x85: {  	_ =	swait.ge [sflag:s26], $0x14000  }
0x86: {  	[sflag:s26] =	ssyncset.done $0x0  }
0x87: {  	s0 =	simm.s32 $0x100;
	s28 =	rddreg [dreg:$0x4];
	[sflag:s26] =	ssyncadd.s32 $0xFFFEC000  }
0x88: {  	[hbm4b:s28+s2] =	stream.linear.scatter [tilespmem:s0], [sflag:$0x2], $0x14000, $0x38;
	[tilespmem:$0x14100] =	vst v63  }
0x89: {  	_ =	swait.ge [sflag:s8], $0x14000  }
0x8a: {  	[sflag:s8] =	ssyncset.done $0x0  }
0x8b: {  	[sflag:s8] =	ssyncadd.s32 $0xFFFEC000  }
0x8c: {  	v3 =	vld [tilespmem:$0x50];
	_ =	sdelay $0x4  }
0x8d: {  	v59 =	vshll.u32 v3, $0x3  }
0x8e: {  	v3 =	vand.u32 $0x7, v3;
	v4 =	vand.u32 $0xFFFFFFC0, v59  }
0x8f: {  	v3 =	vor.u32 v3, v4  }
0x90: {  	v4 =	vperm.xlane v3, v0;
	_ =	sdelay $0x1  }
0x91: {  	v4 =	vadd.s32 v1, v4;
	_ =	sdelay $0x4  }
0x92: {  	[tilespmem:s0], [sflag:$0x1] =	stream.indirect_vreg.gather [hbm4b:s3+s2], $0x80, v4, vm0, $0xb8;
	[tilespmem:$0x14100] =	vst v63  }
0x93: {  	v3 =	vperm.xlane v3, v2  }
0x94: {  	[tilespmem:s29], [sflag:$0x1] =	stream.indirect_vreg.gather [hbm4b:s4+s2], $0x80, v4, vm0, $0xb8;
	[tilespmem:$0x14100] =	vst v63  }
0x95: {  	v3 =	vadd.s32 v1, v3  }
0x96: {  	[tilespmem:s30], [sflag:$0x1] =	stream.indirect_vreg.gather [hbm4b:s5+s2], $0x80, v4, vm0, $0xb8;
	[tilespmem:$0x14100] =	vst v63  }
0x97: {  	_ = 	snop  }
0x98: {  	[tilespmem:s31], [sflag:$0x1] =	stream.indirect_vreg.gather [hbm4b:s6+s2], $0x80, v4, vm0, $0xb8;
	[tilespmem:$0x14100] =	vst v63  }
0x99: {  	s28 =	simm.s32 $0x2100  }
0x9a: {  	[tilespmem:s28], [sflag:$0x1] =	stream.indirect_vreg.gather [hbm4b:s3+s2], $0x80, v3, vm0, $0xb8;
	[tilespmem:$0x14100] =	vst v63  }
0x9b: {  	_ = 	snop  }
0x9c: {  	[tilespmem:s1], [sflag:$0x1] =	stream.indirect_vreg.gather [hbm4b:s4+s2], $0x80, v3, vm0, $0xb8;
	[tilespmem:$0x14100] =	vst v63  }
0x9d: {  	_ = 	snop  }
0x9e: {  	[tilespmem:s10], [sflag:$0x1] =	stream.indirect_vreg.gather [hbm4b:s5+s2], $0x80, v3, vm0, $0xb8;
	[tilespmem:$0x14100] =	vst v63  }
0x9f: {  	_ = 	snop  }
0xa0: {  	[tilespmem:s11], [sflag:$0x1] =	stream.indirect_vreg.gather [hbm4b:s6+s2], $0x80, v3, vm0, $0xb8;
	[tilespmem:$0x14100] =	vst v63  }
0xa1: {  	v3 =	vld [tilespmem:$0x60];
	_ =	sdelay $0x4  }
0xa2: {  	v60 =	vshll.u32 v3, $0x3  }
0xa3: {  	v3 =	vand.u32 $0x7, v3;
	v4 =	vand.u32 $0xFFFFFFC0, v60  }
0xa4: {  	v3 =	vor.u32 v3, v4  }
0xa5: {  	v4 =	vperm.xlane v3, v0;
	_ =	sdelay $0x1  }
0xa6: {  	v4 =	vadd.s32 v1, v4;
	_ =	sdelay $0x4  }
0xa7: {  	[tilespmem:s12], [sflag:$0x1] =	stream.indirect_vreg.gather [hbm4b:s3+s2], $0x80, v4, vm0, $0xb8;
	[tilespmem:$0x14100] =	vst v63  }
0xa8: {  	v3 =	vperm.xlane v3, v2  }
0xa9: {  	[tilespmem:s13], [sflag:$0x1] =	stream.indirect_vreg.gather [hbm4b:s4+s2], $0x80, v4, vm0, $0xb8;
	[tilespmem:$0x14100] =	vst v63  }
0xaa: {  	v3 =	vadd.s32 v1, v3  }
0xab: {  	[tilespmem:s14], [sflag:$0x1] =	stream.indirect_vreg.gather [hbm4b:s5+s2], $0x80, v4, vm0, $0xb8;
	[tilespmem:$0x14100] =	vst v63  }
0xac: {  	_ = 	snop  }
0xad: {  	[tilespmem:s15], [sflag:$0x1] =	stream.indirect_vreg.gather [hbm4b:s6+s2], $0x80, v4, vm0, $0xb8;
	[tilespmem:$0x14100] =	vst v63  }
0xae: {  	_ = 	snop  }
0xaf: {  	[tilespmem:s16], [sflag:$0x1] =	stream.indirect_vreg.gather [hbm4b:s3+s2], $0x80, v3, vm0, $0xb8;
	[tilespmem:$0x14100] =	vst v63  }
0xb0: {  	_ = 	snop  }
0xb1: {  	[tilespmem:s17], [sflag:$0x1] =	stream.indirect_vreg.gather [hbm4b:s4+s2], $0x80, v3, vm0, $0xb8;
	[tilespmem:$0x14100] =	vst v63  }
0xb2: {  	_ = 	snop  }
0xb3: {  	[tilespmem:s18], [sflag:$0x1] =	stream.indirect_vreg.gather [hbm4b:s5+s2], $0x80, v3, vm0, $0xb8;
	[tilespmem:$0x14100] =	vst v63  }
0xb4: {  	_ = 	snop  }
0xb5: {  	[tilespmem:s19], [sflag:$0x1] =	stream.indirect_vreg.gather [hbm4b:s6+s2], $0x80, v3, vm0, $0xb8;
	[tilespmem:$0x14100] =	vst v63  }
0xb6: {  	v3 =	vld [tilespmem:$0x70];
	_ =	sdelay $0x4  }
0xb7: {  	v61 =	vshll.u32 v3, $0x3  }
0xb8: {  	v3 =	vand.u32 $0x7, v3;
	v4 =	vand.u32 $0xFFFFFFC0, v61  }
0xb9: {  	v3 =	vor.u32 v3, v4  }
0xba: {  	v4 =	vperm.xlane v3, v0;
	_ =	sdelay $0x1  }
0xbb: {  	v4 =	vadd.s32 v1, v4;
	_ =	sdelay $0x4  }
0xbc: {  	[tilespmem:s20], [sflag:$0x1] =	stream.indirect_vreg.gather [hbm4b:s3+s2], $0x80, v4, vm0, $0xb8;
	[tilespmem:$0x14100] =	vst v63  }
0xbd: {  	v3 =	vperm.xlane v3, v2  }
0xbe: {  	[tilespmem:s21], [sflag:$0x1] =	stream.indirect_vreg.gather [hbm4b:s4+s2], $0x80, v4, vm0, $0xb8;
	[tilespmem:$0x14100] =	vst v63  }
0xbf: {  	v3 =	vadd.s32 v1, v3  }
0xc0: {  	[tilespmem:s22], [sflag:$0x1] =	stream.indirect_vreg.gather [hbm4b:s5+s2], $0x80, v4, vm0, $0xb8;
	[tilespmem:$0x14100] =	vst v63  }
0xc1: {  	_ = 	snop  }
0xc2: {  	[tilespmem:s23], [sflag:$0x1] =	stream.indirect_vreg.gather [hbm4b:s6+s2], $0x80, v4, vm0, $0xb8;
	[tilespmem:$0x14100] =	vst v63  }
0xc3: {  	_ = 	snop  }
0xc4: {  	[tilespmem:s24], [sflag:$0x1] =	stream.indirect_vreg.gather [hbm4b:s3+s2], $0x80, v3, vm0, $0xb8;
	[tilespmem:$0x14100] =	vst v63  }
0xc5: {  	_ = 	snop  }
0xc6: {  	[tilespmem:s25], [sflag:$0x1] =	stream.indirect_vreg.gather [hbm4b:s4+s2], $0x80, v3, vm0, $0xb8;
	[tilespmem:$0x14100] =	vst v63  }
0xc7: {  	_ = 	snop  }
0xc8: {  	[tilespmem:s9], [sflag:$0x1] =	stream.indirect_vreg.gather [hbm4b:s5+s2], $0x80, v3, vm0, $0xb8;
	[tilespmem:$0x14100] =	vst v63  }
0xc9: {  	s28 =	simm.s32 $0xB900  }
0xca: {  	[tilespmem:s28], [sflag:$0x1] =	stream.indirect_vreg.gather [hbm4b:s6+s2], $0x80, v3, vm0, $0xb8;
	[tilespmem:$0x14100] =	vst v63  }
0xcb: {  	v3 =	vld [tilespmem:$0x80];
	_ =	sdelay $0x4  }
0xcc: {  	v62 =	vshll.u32 v3, $0x3  }
0xcd: {  	v3 =	vand.u32 $0x7, v3;
	v4 =	vand.u32 $0xFFFFFFC0, v62  }
0xce: {  	v3 =	vor.u32 v3, v4  }
0xcf: {  	v4 =	vperm.xlane v3, v0;
	_ =	sdelay $0x1  }
0xd0: {  	v4 =	vadd.s32 v1, v4;
	_ =	sdelay $0x3  }
0xd1: {  	s28 =	simm.s32 $0xC100  }
0xd2: {  	[tilespmem:s28], [sflag:$0x1] =	stream.indirect_vreg.gather [hbm4b:s3+s2], $0x80, v4, vm0, $0xb8;
	[tilespmem:$0x14100] =	vst v63  }
0xd3: {  	v3 =	vperm.xlane v3, v2;
	s28 =	simm.s32 $0xC900  }
0xd4: {  	[tilespmem:s28], [sflag:$0x1] =	stream.indirect_vreg.gather [hbm4b:s4+s2], $0x80, v4, vm0, $0xb8;
	[tilespmem:$0x14100] =	vst v63  }
0xd5: {  	v3 =	vadd.s32 v1, v3;
	s28 =	simm.s32 $0xD100  }
0xd6: {  	[tilespmem:s28], [sflag:$0x1] =	stream.indirect_vreg.gather [hbm4b:s5+s2], $0x80, v4, vm0, $0xb8;
	[tilespmem:$0x14100] =	vst v63  }
0xd7: {  	s28 =	simm.s32 $0xD900  }
0xd8: {  	[tilespmem:s28], [sflag:$0x1] =	stream.indirect_vreg.gather [hbm4b:s6+s2], $0x80, v4, vm0, $0xb8;
	[tilespmem:$0x14100] =	vst v63  }
0xd9: {  	s28 =	simm.s32 $0xE100  }
0xda: {  	[tilespmem:s28], [sflag:$0x1] =	stream.indirect_vreg.gather [hbm4b:s3+s2], $0x80, v3, vm0, $0xb8;
	[tilespmem:$0x14100] =	vst v63  }
0xdb: {  	s28 =	simm.s32 $0xE900  }
0xdc: {  	[tilespmem:s28], [sflag:$0x1] =	stream.indirect_vreg.gather [hbm4b:s4+s2], $0x80, v3, vm0, $0xb8;
	[tilespmem:$0x14100] =	vst v63  }
0xdd: {  	s28 =	simm.s32 $0xF100  }
0xde: {  	[tilespmem:s28], [sflag:$0x1] =	stream.indirect_vreg.gather [hbm4b:s5+s2], $0x80, v3, vm0, $0xb8;
	[tilespmem:$0x14100] =	vst v63  }
0xdf: {  	s28 =	simm.s32 $0xF900  }
0xe0: {  	[tilespmem:s28], [sflag:$0x1] =	stream.indirect_vreg.gather [hbm4b:s6+s2], $0x80, v3, vm0, $0xb8;
	[tilespmem:$0x14100] =	vst v63  }
0xe1: {  	v3 =	vld [tilespmem:$0x90];
	_ =	sdelay $0x4  }
0xe2: {  	v63 =	vshll.u32 v3, $0x3  }
0xe3: {  	v3 =	vand.u32 $0x7, v3;
	v4 =	vand.u32 $0xFFFFFFC0, v63  }
0xe4: {  	v3 =	vor.u32 v3, v4  }
0xe5: {  	v4 =	vperm.xlane v3, v0;
	_ =	sdelay $0x1  }
0xe6: {  	v4 =	vadd.s32 v1, v4;
	_ =	sdelay $0x3  }
0xe7: {  	s28 =	simm.s32 $0x10100  }
0xe8: {  	[tilespmem:s28], [sflag:$0x1] =	stream.indirect_vreg.gather [hbm4b:s3+s2], $0x80, v4, vm0, $0xb8;
	[tilespmem:$0x14100] =	vst v63  }
0xe9: {  	v3 =	vperm.xlane v3, v2;
	s28 =	simm.s32 $0x10900  }
0xea: {  	[tilespmem:s28], [sflag:$0x1] =	stream.indirect_vreg.gather [hbm4b:s4+s2], $0x80, v4, vm0, $0xb8;
	[tilespmem:$0x14100] =	vst v63  }
0xeb: {  	v3 =	vadd.s32 v1, v3;
	s28 =	simm.s32 $0x11100  }
0xec: {  	[tilespmem:s28], [sflag:$0x1] =	stream.indirect_vreg.gather [hbm4b:s5+s2], $0x80, v4, vm0, $0xb8;
	[tilespmem:$0x14100] =	vst v63  }
0xed: {  	s28 =	simm.s32 $0x11900  }
0xee: {  	[tilespmem:s28], [sflag:$0x1] =	stream.indirect_vreg.gather [hbm4b:s6+s2], $0x80, v4, vm0, $0xb8;
	[tilespmem:$0x14100] =	vst v63  }
0xef: {  	s28 =	simm.s32 $0x12100  }
0xf0: {  	[tilespmem:s28], [sflag:$0x1] =	stream.indirect_vreg.gather [hbm4b:s3+s2], $0x80, v3, vm0, $0xb8;
	[tilespmem:$0x14100] =	vst v63  }
0xf1: {  	s28 =	simm.s32 $0x12900  }
0xf2: {  	[tilespmem:s28], [sflag:$0x1] =	stream.indirect_vreg.gather [hbm4b:s4+s2], $0x80, v3, vm0, $0xb8;
	[tilespmem:$0x14100] =	vst v63  }
0xf3: {  	s28 =	simm.s32 $0x13100  }
0xf4: {  	[tilespmem:s28], [sflag:$0x1] =	stream.indirect_vreg.gather [hbm4b:s5+s2], $0x80, v3, vm0, $0xb8;
	[tilespmem:$0x14100] =	vst v63  }
0xf5: {  	s28 =	simm.s32 $0x13900  }
0xf6: {  	[tilespmem:s28], [sflag:$0x1] =	stream.indirect_vreg.gather [hbm4b:s6+s2], $0x80, v3, vm0, $0xb8;
	[tilespmem:$0x14100] =	vst v63  }
0xf7: {  	_ =	swait.ge [sflag:s26], $0x14000  }
0xf8: {  	p0 =	sne.s32 s7, $0x1;
	s0 =	simm.s32 $0x100;
	[sflag:s26] =	ssyncset.done $0x0  }
.Ltmp0:
0xf9: {  	s28 =	rddreg [dreg:$0x5];
	[sflag:s26] =	ssyncadd.s32 $0xFFFEC000;
	(pc) =	sbr.rel @p0 .LBB2_1-.Ltmp0, $4  }
0xfa: {  	[hbm4b:s28+s2] =	stream.linear.scatter [tilespmem:s0], [sflag:$0x2], $0x14000, $0x38;
	[tilespmem:$0x14100] =	vst v63  }
0xfb: {  	_ =	swait.ge [sflag:s8], $0x14000  }
0xfc: {  	[sflag:s8] =	ssyncset.done $0x0  }
0xfd: {  	s7 =	sadd.s32 $0xFFFFFFFF, s7;
	[sflag:s8] =	ssyncadd.s32 $0xFFFEC000  }
0xfe: {  	_ =	sfence.sel $0x180000  }
0xff: {  	[bflag:$0x0] =	sbarrier.arrive $0xFFFF  }
0x100: {  	_ =	strace $0x90000047  }
0x101: {  	s0 =	stileid.u32;
	[bflag:$0x2] =	sbarrier.arrive $0xFFFF  }
0x102: {  	p0 =	sne.s32 s0, $0x0;
	s0 =	rddreg [dreg:$0x2]  }
0x103: {  	s0 =	sadd.s32 @!p0 $0x100000, s0  }
0x104: {  	[sflag:s0] =	ssyncadd.tile.s32 @!p0 $0x1;
	_ =	shalt  }
.Lfunc_end2:
_tile_overlayer_lowered:
.L_overlay_start_2:
0x105: {  	(tag) =	ssettag $0x2  }
0x106: {  	s0 =	rddreg [dreg:$0x0];
	s2 =	stileid.u32  }
0x107: {  	s1 =	rddreg [dreg:$0x1];
	p0 =	sne.s32 s2, $0x0  }
0x108: {  	s3 =	rddreg [dreg:$0x2];
	[bflag:$0x3] =	sbarrier.arrive $0xFFFF;
	s2 =	simm.s32 @!p0 $0x1C02  }
0x109: {  	[timem:s3], [sflag:s2] =	dma.local @!p0 [hbm:s0], s1  }
0x10a: {  	s0 =	simm.s32 @!p0 $0x2  }
0x10b: {  	_ =	swait.ge @!p0 [sflag:s0], s1  }
0x10c: {  	s1 =	ssub.s32 @!p0 $0x0, s1;
	[sflag:s0] =	ssyncset.done @!p0 $0x0  }
0x10d: {  	[sflag:s0] =	ssyncadd.s32 @!p0 s1  }
0x10e: {  	[bflag:$0x3] =	sbarrier.arrive $0xFFFF  }
0x10f: {  	_ =	shalt  }

</sc_bundles>
